<compile_context>
chip_gen: v7x
topology: tpu7x:2x2x1
jax: 0.10.2.dev20260603
libtpu: 0.0.44.dev20260713+nightly
codegen_flags: <defaults>
</compile_context>

<pallas_src>
import jax
import jax.numpy as jnp
from jax import lax
from jax.experimental import pallas as pl
from jax.experimental.pallas import tpu as pltpu
from jax.experimental.pallas import tpu_sc as plsc

N_NODES = 10000
D = 128
NC = 2
NS = 16
CHUNK = 128
NBUF = 3

MESH_CHUNKS_PER_SC = 1250
MESH_ITERS = 79
WORLD_CHUNKS_PER_SC = 156
WORLD_ITERS = 10
WORLD_TAIL_BASE = 312 * CHUNK
WORLD_TAIL = 64

ROWS_MAIN = 624
TAIL_ROWS_BASE = NS * ROWS_MAIN
TAIL_ROWS = N_NODES - TAIL_ROWS_BASE


def _zero_rows(buf, n_rows):
    def zrow(i, _):
        for j in range(D // 16):
            buf[i, pl.ds(j * 16, 16)] = jnp.zeros((16,), jnp.float32)
        return _
    lax.fori_loop(0, n_rows, zrow, None)


def _sc_body(edge_attr, midx, wedge_attr, widx,
             out_mesh, out_world, acc,
             rows0, rows1, rows2, idx3,
             gsem0, gsem1, gsem2, ssem0, ssem1, ssem2):
    c = lax.axis_index("c")
    s = lax.axis_index("s")
    rows = (rows0, rows1, rows2)
    gsem = (gsem0, gsem1, gsem2)
    ssem = (ssem0, ssem1, ssem2)

    base = s * ROWS_MAIN

    def zero_own_slice():
        for k in range(4):
            pltpu.sync_copy(rows2, acc.at[pl.ds(base + k * CHUNK, CHUNK)])
        pltpu.sync_copy(rows2.at[pl.ds(0, ROWS_MAIN - 4 * CHUNK)],
                        acc.at[pl.ds(base + 4 * CHUNK,
                                     ROWS_MAIN - 4 * CHUNK)])

        @pl.when(s == NS - 1)
        def _():
            pltpu.sync_copy(rows2.at[pl.ds(0, TAIL_ROWS)],
                            acc.at[pl.ds(TAIL_ROWS_BASE, TAIL_ROWS)])

    def make_phase(n_iters, chunks_per_sc, idx_hbm, attr_hbm):
        def valid(t):
            return (t * NS + s) < chunks_per_sc

        def start_gather(t, b):
            @pl.when(valid(t))
            def _():
                chunk = c * chunks_per_sc + t * NS + s
                pltpu.async_copy(idx_hbm.at[pl.ds(chunk * CHUNK, CHUNK)],
                                 idx3.at[b], gsem[b])
                pltpu.async_copy(attr_hbm.at[pl.ds(chunk * CHUNK, CHUNK)],
                                 rows[b], gsem[b])

        def wait_gather(t, b):
            @pl.when(valid(t))
            def _():
                pltpu.make_async_copy(idx_hbm.at[pl.ds(0, CHUNK)],
                                      idx3.at[b], gsem[b]).wait()
                pltpu.make_async_copy(attr_hbm.at[pl.ds(0, CHUNK)],
                                      rows[b], gsem[b]).wait()

        def start_scatter(t, b):
            @pl.when(valid(t))
            def _():
                pltpu.async_copy(rows[b], acc.at[idx3.at[b]], ssem[b],
                                 add=True)

        n_outer = (n_iters + 2 + NBUF - 1) // NBUF + 1

        def prologue():
            start_gather(0, 0)
            start_gather(1, 1)

        def outer(jo, _):
            for b_ in range(NBUF):
                j = jo * NBUF + b_
                wait_gather(j, b_)
                start_scatter(j, b_)
                bprev = (b_ - 1) % NBUF
                jm1 = j - 1

                @pl.when(jnp.logical_and(jm1 >= 0, valid(jm1)))
                def _(bp=bprev):
                    pltpu.make_async_copy(rows[bp], acc.at[idx3.at[bp]],
                                          ssem[bp]).wait()

                start_gather(j + 2, bprev)
            return _

        def loop():
            lax.fori_loop(0, n_outer, outer, None)

        return prologue, loop

    def flush(out_hbm):
        pltpu.sync_copy(acc.at[pl.ds(base, ROWS_MAIN)],
                        out_hbm.at[c, pl.ds(base, ROWS_MAIN)])

        @pl.when(s == NS - 1)
        def _():
            pltpu.sync_copy(acc.at[pl.ds(TAIL_ROWS_BASE, TAIL_ROWS)],
                            out_hbm.at[c, pl.ds(TAIL_ROWS_BASE, TAIL_ROWS)])

    mesh_pro, mesh_loop = make_phase(MESH_ITERS, MESH_CHUNKS_PER_SC,
                                     midx, edge_attr)
    world_pro, world_loop = make_phase(WORLD_ITERS, WORLD_CHUNKS_PER_SC,
                                       widx, wedge_attr)

    mesh_pro()
    _zero_rows(rows2, CHUNK)
    zero_own_slice()
    plsc.subcore_barrier()
    mesh_loop()
    plsc.subcore_barrier()
    world_pro()
    flush(out_mesh)
    plsc.subcore_barrier()

    world_loop()

    @pl.when(jnp.logical_and(c == 0, s == 0))
    def _tail():
        for k in range((CHUNK - WORLD_TAIL) // 16):
            idx3[0, pl.ds(WORLD_TAIL + k * 16, 16)] = jnp.zeros(
                (16,), jnp.int32)
        pltpu.sync_copy(widx.at[pl.ds(WORLD_TAIL_BASE, WORLD_TAIL)],
                        idx3.at[0, pl.ds(0, WORLD_TAIL)])
        _zero_rows(rows0, CHUNK)
        pltpu.sync_copy(wedge_attr.at[pl.ds(WORLD_TAIL_BASE, WORLD_TAIL)],
                        rows0.at[pl.ds(0, WORLD_TAIL)])
        pltpu.sync_copy(rows0, acc.at[idx3.at[0]], add=True)

    plsc.subcore_barrier()
    flush(out_world)


def _sc_scatter(edge_attr, midx, wedge_attr, widx):
    mesh = plsc.VectorSubcoreMesh(core_axis_name="c", subcore_axis_name="s")
    f = pl.kernel(
        _sc_body,
        out_type=(
            jax.ShapeDtypeStruct((NC, N_NODES, D), jnp.float32),
            jax.ShapeDtypeStruct((NC, N_NODES, D), jnp.float32),
        ),
        mesh=mesh,
        scratch_types=[
            pltpu.VMEM_SHARED((N_NODES, D), jnp.float32),
            pltpu.VMEM((CHUNK, D), jnp.float32),
            pltpu.VMEM((CHUNK, D), jnp.float32),
            pltpu.VMEM((CHUNK, D), jnp.float32),
            pltpu.VMEM((NBUF, CHUNK), jnp.int32),
            pltpu.SemaphoreType.DMA,
            pltpu.SemaphoreType.DMA,
            pltpu.SemaphoreType.DMA,
            pltpu.SemaphoreType.DMA,
            pltpu.SemaphoreType.DMA,
            pltpu.SemaphoreType.DMA,
        ],
    )
    return f(edge_attr, midx, wedge_attr, widx)


def _mlp_body(node_ref, mesh_ref, world_ref, w1_ref, b1_ref, w2_ref, b2_ref,
              out_ref):
    x = node_ref[...]
    m = mesh_ref[0] + mesh_ref[1]
    w = world_ref[0] + world_ref[1] - m
    h = (jnp.dot(x, w1_ref[0:D], preferred_element_type=jnp.float32)
         + jnp.dot(m, w1_ref[D:2 * D], preferred_element_type=jnp.float32)
         + jnp.dot(w, w1_ref[2 * D:3 * D], preferred_element_type=jnp.float32)
         + b1_ref[...])
    h = jnp.maximum(h, 0.0)
    out_ref[...] = (jnp.dot(h, w2_ref[...], preferred_element_type=jnp.float32)
                    + b2_ref[...])


def _tc_mlp(node_attr, mesh_p, world_p, W1, b1, W2, b2):
    R = 2000
    grid = (N_NODES // R,)
    return pl.pallas_call(
        _mlp_body,
        grid=grid,
        in_specs=[
            pl.BlockSpec((R, D), lambda i: (i, 0)),
            pl.BlockSpec((NC, R, D), lambda i: (0, i, 0)),
            pl.BlockSpec((NC, R, D), lambda i: (0, i, 0)),
            pl.BlockSpec((3 * D, D), lambda i: (0, 0)),
            pl.BlockSpec((1, D), lambda i: (0, 0)),
            pl.BlockSpec((D, D), lambda i: (0, 0)),
            pl.BlockSpec((1, D), lambda i: (0, 0)),
        ],
        out_specs=pl.BlockSpec((R, D), lambda i: (i, 0)),
        out_shape=jax.ShapeDtypeStruct((N_NODES, D), jnp.float32),
    )(node_attr, mesh_p, world_p, W1, b1, W2, b2)


def kernel(node_attr, edge_index, edge_attr, edge_world_index,
           edge_world_attr, W1, b1, W2, b2):
    midx = edge_index[1].astype(jnp.int32)
    widx = edge_world_index[1].astype(jnp.int32)
    mesh_p, world_p = _sc_scatter(edge_attr, midx, edge_world_attr, widx)
    return _tc_mlp(node_attr, mesh_p, world_p, W1,
                   b1.reshape(1, D), W2, b2.reshape(1, D))

# --- scband reference (transcript-rebuilt; emitter-appended) ---
"""Pipeline reference for scband-node-processor-module-52510270161469 (READ-ONLY COPY).

The authoritative reference and input builder live on the scoring server;
editing this copy changes nothing except your own understanding.
"""

import jax, jax.numpy as jnp
import numpy as np

N_NODES = 10000
N_EDGES = 320000
N_WEDGES = 40000
D = 128

def setup_inputs(seed: int = 0) -> dict:
    key = jax.random.key(seed)
    k1, k2, k3, k4, k5, k6, k7 = jax.random.split(key, 7)
    node_attr = jax.random.normal(k1, (N_NODES, D), dtype=jnp.float32)
    edge_index = jax.random.randint(k2, (2, N_EDGES), 0, N_NODES, dtype=jnp.int64)
    edge_attr = jax.random.normal(k3, (N_EDGES, D), dtype=jnp.float32)
    edge_world_index = jax.random.randint(k4, (2, N_WEDGES), 0, N_NODES, dtype=jnp.int64)
    edge_world_attr = jax.random.normal(k5, (N_WEDGES, D), dtype=jnp.float32)
    # learned params of self.net: MLP(3*D -> D -> D) as in MeshGraphNets latent-128 processors
    W1 = jax.random.normal(k6, (3 * D, D), dtype=jnp.float32) / np.sqrt(3 * D)
    b1 = jnp.zeros((D,), dtype=jnp.float32)
    W2 = jax.random.normal(k7, (D, D), dtype=jnp.float32) / np.sqrt(D)
    b2 = jnp.zeros((D,), dtype=jnp.float32)
    return {"node_attr": node_attr, "edge_index": edge_index, "edge_attr": edge_attr,
            "edge_world_index": edge_world_index, "edge_world_attr": edge_world_attr,
            "W1": W1, "b1": b1, "W2": W2, "b2": b2}

def reference(node_attr, edge_index, edge_attr, edge_world_index, edge_world_attr, W1, b1, W2, b2):
    # scatter_add of mesh edge features onto receiver nodes
    mesh_receivers_idx = edge_index[1]
    agg_received_edges_mesh = jax.ops.segment_sum(edge_attr, mesh_receivers_idx, num_segments=N_NODES)
    # scatter_add of world/actuator edge features onto receiver nodes
    actuator_receivers_idx = edge_world_index[1]
    agg_received_edges_actuator = jax.ops.segment_sum(edge_world_attr, actuator_receivers_idx, num_segments=N_NODES)
    collected_nodes = jnp.concatenate([node_attr, agg_received_edges_mesh, agg_received_edges_actuator], axis=-1)
    h = jnp.maximum(collected_nodes @ W1 + b1, 0.0)
    new_node_attr = h @ W2 + b2
    # Data(x=new_node_attr, edge_attr=edge_attr, edge_index=edge_index, ...): edges pass through unchanged;
    # return the computed node attributes as the forward output.
    return new_node_attr

if __name__ == "__main__":
    import jax
    _d = setup_inputs()
    print(jax.jit(kernel)(*tuple(_d.values())))

</pallas_src>

<mosaic_0001>
#map = affine_map<(d0, d1) -> (0, 0)>
#map1 = affine_map<(d0, d1) -> (0)>
#map2 = affine_map<(d0, d1) -> (0, 0, 0)>
module attributes {stable_mosaic.version = 14 : i64} {
  func.func @_sc_body(%arg0: i32, %arg1: i32, %arg2: memref<320000x128xf32, #tpu.memory_space<hbm>>, %arg3: memref<320000xi32, #tpu.memory_space<hbm>>, %arg4: memref<40000x128xf32, #tpu.memory_space<hbm>>, %arg5: memref<40000xi32, #tpu.memory_space<hbm>>, %arg6: memref<2x10000x128xf32, #tpu.memory_space<hbm>>, %arg7: memref<2x10000x128xf32, #tpu.memory_space<hbm>>, %arg8: memref<10000x128xf32, #tpu.memory_space<vmem_shared>>, %arg9: memref<128x128xf32, #tpu.memory_space<vmem>>, %arg10: memref<128x128xf32, #tpu.memory_space<vmem>>, %arg11: memref<128x128xf32, #tpu.memory_space<vmem>>, %arg12: memref<3x128xi32, #tpu.memory_space<vmem>>, %arg13: memref<!tpu.dma_semaphore, #tpu.memory_space<semaphore_mem>>, %arg14: memref<!tpu.dma_semaphore, #tpu.memory_space<semaphore_mem>>, %arg15: memref<!tpu.dma_semaphore, #tpu.memory_space<semaphore_mem>>, %arg16: memref<!tpu.dma_semaphore, #tpu.memory_space<semaphore_mem>>, %arg17: memref<!tpu.dma_semaphore, #tpu.memory_space<semaphore_mem>>, %arg18: memref<!tpu.dma_semaphore, #tpu.memory_space<semaphore_mem>>) attributes {dimension_semantics = [#tpu.dimension_semantics<core_parallel>, #tpu.dimension_semantics<subcore_parallel>], iteration_bounds = array<i64: 2, 16>, scalar_prefetch = 0 : i64, scratch_operands = 11 : i64, tpu.core_type = #tpu.core_type<sc_vector_subcore>, window_params = [{transform_indices = #map}, {transform_indices = #map1}, {transform_indices = #map}, {transform_indices = #map1}, {transform_indices = #map2}, {transform_indices = #map2}]} {
    %mul3A = arith.constant 624 : i32
    %mul3A_0 = arith.muli %arg1, %mul3A : i32
    %add3A = arith.constant 0 : i32
    %add3A_1 = arith.addi %add3A, %arg1 : i32
    %lt3A = arith.constant 1250 : i32
    %lt3A_2 = arith.cmpi slt, %add3A_1, %lt3A : i32
    %convert_element_type3A = arith.extui %lt3A_2 : i1 to i32
    %cond3A = arith.constant 0 : i32
    %cond3A_3 = arith.cmpi ne, %convert_element_type3A, %cond3A : i32
    scf.if %cond3A_3 {
      %mul3A_73 = arith.constant 1250 : i32
      %mul3A_74 = arith.muli %arg0, %mul3A_73 : i32
      %add3A_75 = arith.constant 0 : i32
      %add3A_76 = arith.addi %mul3A_74, %add3A_75 : i32
      %add3A_77 = arith.addi %add3A_76, %arg1 : i32
      %mul3A_78 = arith.constant 128 : i32
      %mul3A_79 = arith.muli %add3A_77, %mul3A_78 : i32
      %dma_start3A = arith.constant 0 : i32
      %dma_start3A_80 = arith.constant 0 : i32
      %dma_start3A_81 = tpu.memref_slice %arg12[%dma_start3A, %dma_start3A_80] : memref<3x128xi32, #tpu.memory_space<vmem>> -> memref<1x128xi32, #tpu.memory_space<vmem>>
      %dma_start3A_82 = tpu.memref_squeeze %dma_start3A_81 : memref<1x128xi32, #tpu.memory_space<vmem>> -> memref<128xi32, #tpu.memory_space<vmem>>
      %dma_start3A_83 = tpu.memref_slice %arg3[%mul3A_79] : memref<320000xi32, #tpu.memory_space<hbm>> -> memref<128xi32, #tpu.memory_space<hbm>>
      %dma_start3A_84 = arith.constant 0 : i32
      %dma_start3A_85 = tpu.memref_slice %arg12[%dma_start3A, %dma_start3A_84] : memref<3x128xi32, #tpu.memory_space<vmem>> -> memref<1x128xi32, #tpu.memory_space<vmem>>
      %dma_start3A_86 = tpu.memref_squeeze %dma_start3A_85 : memref<1x128xi32, #tpu.memory_space<vmem>> -> memref<128xi32, #tpu.memory_space<vmem>>
      %dma_start3A_87 = tpu.memref_slice %arg3[%mul3A_79] : memref<320000xi32, #tpu.memory_space<hbm>> -> memref<128xi32, #tpu.memory_space<hbm>>
      tpu.enqueue_dma source(%dma_start3A_87 : memref<128xi32, #tpu.memory_space<hbm>>) target(%dma_start3A_86 : memref<128xi32, #tpu.memory_space<vmem>>) target_semaphore(%arg13 : memref<!tpu.dma_semaphore, #tpu.memory_space<semaphore_mem>>)
      %mul3A_88 = arith.constant 128 : i32
      %mul3A_89 = arith.muli %add3A_77, %mul3A_88 : i32
      %dma_start3A_90 = arith.constant 0 : i32
      %dma_start3A_91 = tpu.memref_slice %arg2[%mul3A_89, %dma_start3A_90] : memref<320000x128xf32, #tpu.memory_space<hbm>> -> memref<128x128xf32, #tpu.memory_space<hbm>>
      %dma_start3A_92 = arith.constant 0 : i32
      %dma_start3A_93 = tpu.memref_slice %arg2[%mul3A_89, %dma_start3A_92] : memref<320000x128xf32, #tpu.memory_space<hbm>> -> memref<128x128xf32, #tpu.memory_space<hbm>>
      tpu.enqueue_dma source(%dma_start3A_93 : memref<128x128xf32, #tpu.memory_space<hbm>>) target(%arg9 : memref<128x128xf32, #tpu.memory_space<vmem>>) target_semaphore(%arg13 : memref<!tpu.dma_semaphore, #tpu.memory_space<semaphore_mem>>)
    } else {
    }
    %add3A_4 = arith.constant 16 : i32
    %add3A_5 = arith.addi %add3A_4, %arg1 : i32
    %lt3A_6 = arith.constant 1250 : i32
    %lt3A_7 = arith.cmpi slt, %add3A_5, %lt3A_6 : i32
    %convert_element_type3A_8 = arith.extui %lt3A_7 : i1 to i32
    %cond3A_9 = arith.constant 0 : i32
    %cond3A_10 = arith.cmpi ne, %convert_element_type3A_8, %cond3A_9 : i32
    scf.if %cond3A_10 {
      %mul3A_73 = arith.constant 1250 : i32
      %mul3A_74 = arith.muli %arg0, %mul3A_73 : i32
      %add3A_75 = arith.constant 16 : i32
      %add3A_76 = arith.addi %mul3A_74, %add3A_75 : i32
      %add3A_77 = arith.addi %add3A_76, %arg1 : i32
      %mul3A_78 = arith.constant 128 : i32
      %mul3A_79 = arith.muli %add3A_77, %mul3A_78 : i32
      %dma_start3A = arith.constant 1 : i32
      %dma_start3A_80 = arith.constant 0 : i32
      %dma_start3A_81 = tpu.memref_slice %arg12[%dma_start3A, %dma_start3A_80] : memref<3x128xi32, #tpu.memory_space<vmem>> -> memref<1x128xi32, #tpu.memory_space<vmem>>
      %dma_start3A_82 = tpu.memref_squeeze %dma_start3A_81 : memref<1x128xi32, #tpu.memory_space<vmem>> -> memref<128xi32, #tpu.memory_space<vmem>>
      %dma_start3A_83 = tpu.memref_slice %arg3[%mul3A_79] : memref<320000xi32, #tpu.memory_space<hbm>> -> memref<128xi32, #tpu.memory_space<hbm>>
      %dma_start3A_84 = arith.constant 0 : i32
      %dma_start3A_85 = tpu.memref_slice %arg12[%dma_start3A, %dma_start3A_84] : memref<3x128xi32, #tpu.memory_space<vmem>> -> memref<1x128xi32, #tpu.memory_space<vmem>>
      %dma_start3A_86 = tpu.memref_squeeze %dma_start3A_85 : memref<1x128xi32, #tpu.memory_space<vmem>> -> memref<128xi32, #tpu.memory_space<vmem>>
      %dma_start3A_87 = tpu.memref_slice %arg3[%mul3A_79] : memref<320000xi32, #tpu.memory_space<hbm>> -> memref<128xi32, #tpu.memory_space<hbm>>
      tpu.enqueue_dma source(%dma_start3A_87 : memref<128xi32, #tpu.memory_space<hbm>>) target(%dma_start3A_86 : memref<128xi32, #tpu.memory_space<vmem>>) target_semaphore(%arg14 : memref<!tpu.dma_semaphore, #tpu.memory_space<semaphore_mem>>)
      %mul3A_88 = arith.constant 128 : i32
      %mul3A_89 = arith.muli %add3A_77, %mul3A_88 : i32
      %dma_start3A_90 = arith.constant 0 : i32
      %dma_start3A_91 = tpu.memref_slice %arg2[%mul3A_89, %dma_start3A_90] : memref<320000x128xf32, #tpu.memory_space<hbm>> -> memref<128x128xf32, #tpu.memory_space<hbm>>
      %dma_start3A_92 = arith.constant 0 : i32
      %dma_start3A_93 = tpu.memref_slice %arg2[%mul3A_89, %dma_start3A_92] : memref<320000x128xf32, #tpu.memory_space<hbm>> -> memref<128x128xf32, #tpu.memory_space<hbm>>
      tpu.enqueue_dma source(%dma_start3A_93 : memref<128x128xf32, #tpu.memory_space<hbm>>) target(%arg10 : memref<128x128xf32, #tpu.memory_space<vmem>>) target_semaphore(%arg14 : memref<!tpu.dma_semaphore, #tpu.memory_space<semaphore_mem>>)
    } else {
    }
    %scan3A = arith.constant 0 : i32
    %scan3A_11 = arith.constant 128 : i32
    %scan3A_12 = arith.addi %scan3A, %scan3A_11 : i32
    %scan3A_13 = arith.constant 1 : i32
    scf.for %scan3A_73 = %scan3A to %scan3A_12 step %scan3A_13  : i32 {
      %broadcast_in_dim3A = arith.constant 0.000000e+00 : f32
      %broadcast_in_dim3A_74 = vector.broadcast %broadcast_in_dim3A : f32 to vector<16xf32>
      %swap3A = arith.index_cast %scan3A_73 : i32 to index
      %swap3A_75 = arith.constant 0 : index
      %swap3A_76 = tpu.vector_load %arg11[%swap3A, %swap3A_75] {strides = array<i32>} : memref<128x128xf32, #tpu.memory_space<vmem>>, vector<1x16xf32>,
      %swap3A_77 = vector.shape_cast %swap3A_76 : vector<1x16xf32> to vector<16xf32>
      %swap3A_78 = vector.shape_cast %broadcast_in_dim3A_74 : vector<16xf32> to vector<1x16xf32>
      tpu.vector_store %arg11[%swap3A, %swap3A_75], %swap3A_78 {strides = array<i32>} : memref<128x128xf32, #tpu.memory_space<vmem>>, vector<1x16xf32>,
      %broadcast_in_dim3A_79 = arith.constant 0.000000e+00 : f32
      %broadcast_in_dim3A_80 = vector.broadcast %broadcast_in_dim3A_79 : f32 to vector<16xf32>
      %swap3A_81 = arith.index_cast %scan3A_73 : i32 to index
      %swap3A_82 = arith.constant 16 : index
      %swap3A_83 = tpu.vector_load %arg11[%swap3A_81, %swap3A_82] {strides = array<i32>} : memref<128x128xf32, #tpu.memory_space<vmem>>, vector<1x16xf32>,
      %swap3A_84 = vector.shape_cast %swap3A_83 : vector<1x16xf32> to vector<16xf32>
      %swap3A_85 = vector.shape_cast %broadcast_in_dim3A_80 : vector<16xf32> to vector<1x16xf32>
      tpu.vector_store %arg11[%swap3A_81, %swap3A_82], %swap3A_85 {strides = array<i32>} : memref<128x128xf32, #tpu.memory_space<vmem>>, vector<1x16xf32>,
      %broadcast_in_dim3A_86 = arith.constant 0.000000e+00 : f32
      %broadcast_in_dim3A_87 = vector.broadcast %broadcast_in_dim3A_86 : f32 to vector<16xf32>
      %swap3A_88 = arith.index_cast %scan3A_73 : i32 to index
      %swap3A_89 = arith.constant 32 : index
      %swap3A_90 = tpu.vector_load %arg11[%swap3A_88, %swap3A_89] {strides = array<i32>} : memref<128x128xf32, #tpu.memory_space<vmem>>, vector<1x16xf32>,
      %swap3A_91 = vector.shape_cast %swap3A_90 : vector<1x16xf32> to vector<16xf32>
      %swap3A_92 = vector.shape_cast %broadcast_in_dim3A_87 : vector<16xf32> to vector<1x16xf32>
      tpu.vector_store %arg11[%swap3A_88, %swap3A_89], %swap3A_92 {strides = array<i32>} : memref<128x128xf32, #tpu.memory_space<vmem>>, vector<1x16xf32>,
      %broadcast_in_dim3A_93 = arith.constant 0.000000e+00 : f32
      %broadcast_in_dim3A_94 = vector.broadcast %broadcast_in_dim3A_93 : f32 to vector<16xf32>
      %swap3A_95 = arith.index_cast %scan3A_73 : i32 to index
      %swap3A_96 = arith.constant 48 : index
      %swap3A_97 = tpu.vector_load %arg11[%swap3A_95, %swap3A_96] {strides = array<i32>} : memref<128x128xf32, #tpu.memory_space<vmem>>, vector<1x16xf32>,
      %swap3A_98 = vector.shape_cast %swap3A_97 : vector<1x16xf32> to vector<16xf32>
      %swap3A_99 = vector.shape_cast %broadcast_in_dim3A_94 : vector<16xf32> to vector<1x16xf32>
      tpu.vector_store %arg11[%swap3A_95, %swap3A_96], %swap3A_99 {strides = array<i32>} : memref<128x128xf32, #tpu.memory_space<vmem>>, vector<1x16xf32>,
      %broadcast_in_dim3A_100 = arith.constant 0.000000e+00 : f32
      %broadcast_in_dim3A_101 = vector.broadcast %broadcast_in_dim3A_100 : f32 to vector<16xf32>
      %swap3A_102 = arith.index_cast %scan3A_73 : i32 to index
      %swap3A_103 = arith.constant 64 : index
      %swap3A_104 = tpu.vector_load %arg11[%swap3A_102, %swap3A_103] {strides = array<i32>} : memref<128x128xf32, #tpu.memory_space<vmem>>, vector<1x16xf32>,
      %swap3A_105 = vector.shape_cast %swap3A_104 : vector<1x16xf32> to vector<16xf32>
      %swap3A_106 = vector.shape_cast %broadcast_in_dim3A_101 : vector<16xf32> to vector<1x16xf32>
      tpu.vector_store %arg11[%swap3A_102, %swap3A_103], %swap3A_106 {strides = array<i32>} : memref<128x128xf32, #tpu.memory_space<vmem>>, vector<1x16xf32>,
      %broadcast_in_dim3A_107 = arith.constant 0.000000e+00 : f32
      %broadcast_in_dim3A_108 = vector.broadcast %broadcast_in_dim3A_107 : f32 to vector<16xf32>
      %swap3A_109 = arith.index_cast %scan3A_73 : i32 to index
      %swap3A_110 = arith.constant 80 : index
      %swap3A_111 = tpu.vector_load %arg11[%swap3A_109, %swap3A_110] {strides = array<i32>} : memref<128x128xf32, #tpu.memory_space<vmem>>, vector<1x16xf32>,
      %swap3A_112 = vector.shape_cast %swap3A_111 : vector<1x16xf32> to vector<16xf32>
      %swap3A_113 = vector.shape_cast %broadcast_in_dim3A_108 : vector<16xf32> to vector<1x16xf32>
      tpu.vector_store %arg11[%swap3A_109, %swap3A_110], %swap3A_113 {strides = array<i32>} : memref<128x128xf32, #tpu.memory_space<vmem>>, vector<1x16xf32>,
      %broadcast_in_dim3A_114 = arith.constant 0.000000e+00 : f32
      %broadcast_in_dim3A_115 = vector.broadcast %broadcast_in_dim3A_114 : f32 to vector<16xf32>
      %swap3A_116 = arith.index_cast %scan3A_73 : i32 to index
      %swap3A_117 = arith.constant 96 : index
      %swap3A_118 = tpu.vector_load %arg11[%swap3A_116, %swap3A_117] {strides = array<i32>} : memref<128x128xf32, #tpu.memory_space<vmem>>, vector<1x16xf32>,
      %swap3A_119 = vector.shape_cast %swap3A_118 : vector<1x16xf32> to vector<16xf32>
      %swap3A_120 = vector.shape_cast %broadcast_in_dim3A_115 : vector<16xf32> to vector<1x16xf32>
      tpu.vector_store %arg11[%swap3A_116, %swap3A_117], %swap3A_120 {strides = array<i32>} : memref<128x128xf32, #tpu.memory_space<vmem>>, vector<1x16xf32>,
      %broadcast_in_dim3A_121 = arith.constant 0.000000e+00 : f32
      %broadcast_in_dim3A_122 = vector.broadcast %broadcast_in_dim3A_121 : f32 to vector<16xf32>
      %swap3A_123 = arith.index_cast %scan3A_73 : i32 to index
      %swap3A_124 = arith.constant 112 : index
      %swap3A_125 = tpu.vector_load %arg11[%swap3A_123, %swap3A_124] {strides = array<i32>} : memref<128x128xf32, #tpu.memory_space<vmem>>, vector<1x16xf32>,
      %swap3A_126 = vector.shape_cast %swap3A_125 : vector<1x16xf32> to vector<16xf32>
      %swap3A_127 = vector.shape_cast %broadcast_in_dim3A_122 : vector<16xf32> to vector<1x16xf32>
      tpu.vector_store %arg11[%swap3A_123, %swap3A_124], %swap3A_127 {strides = array<i32>} : memref<128x128xf32, #tpu.memory_space<vmem>>, vector<1x16xf32>,
    }
    %scan3A_14 = arith.constant 128 : i32
    %add3A_15 = arith.constant 0 : i32
    %add3A_16 = arith.addi %mul3A_0, %add3A_15 : i32
    "tpu.region"() ({
      %run_scoped3A = tpu.sem_alloc : memref<!tpu.dma_semaphore, #tpu.memory_space<semaphore_mem>>
      %dma_start3A = arith.constant 0 : i32
      %dma_start3A_73 = tpu.memref_slice %arg8[%add3A_16, %dma_start3A] : memref<10000x128xf32, #tpu.memory_space<vmem_shared>> -> memref<128x128xf32, #tpu.memory_space<vmem_shared>>
      %dma_start3A_74 = arith.constant 0 : i32
      %dma_start3A_75 = tpu.memref_slice %arg8[%add3A_16, %dma_start3A_74] : memref<10000x128xf32, #tpu.memory_space<vmem_shared>> -> memref<128x128xf32, #tpu.memory_space<vmem_shared>>
      tpu.enqueue_dma source(%arg11 : memref<128x128xf32, #tpu.memory_space<vmem>>) target(%dma_start3A_75 : memref<128x128xf32, #tpu.memory_space<vmem_shared>>) target_semaphore(%run_scoped3A : memref<!tpu.dma_semaphore, #tpu.memory_space<semaphore_mem>>)
      %dma_wait3A = arith.constant 0 : i32
      %dma_wait3A_76 = tpu.memref_slice %arg8[%add3A_16, %dma_wait3A] : memref<10000x128xf32, #tpu.memory_space<vmem_shared>> -> memref<128x128xf32, #tpu.memory_space<vmem_shared>>
      %dma_wait3A_77 = arith.constant 0 : i32
      %dma_wait3A_78 = tpu.memref_slice %arg8[%add3A_16, %dma_wait3A_77] : memref<10000x128xf32, #tpu.memory_space<vmem_shared>> -> memref<128x128xf32, #tpu.memory_space<vmem_shared>>
      tpu.wait_dma2 semaphore(%run_scoped3A : memref<!tpu.dma_semaphore, #tpu.memory_space<semaphore_mem>>) src(%arg11 : memref<128x128xf32, #tpu.memory_space<vmem>>) dst(%dma_wait3A_78 : memref<128x128xf32, #tpu.memory_space<vmem_shared>>)
      tpu.yield
    }) : () -> ()
    %add3A_17 = arith.constant 128 : i32
    %add3A_18 = arith.addi %mul3A_0, %add3A_17 : i32
    "tpu.region"() ({
      %run_scoped3A = tpu.sem_alloc : memref<!tpu.dma_semaphore, #tpu.memory_space<semaphore_mem>>
      %dma_start3A = arith.constant 0 : i32
      %dma_start3A_73 = tpu.memref_slice %arg8[%add3A_18, %dma_start3A] : memref<10000x128xf32, #tpu.memory_space<vmem_shared>> -> memref<128x128xf32, #tpu.memory_space<vmem_shared>>
      %dma_start3A_74 = arith.constant 0 : i32
      %dma_start3A_75 = tpu.memref_slice %arg8[%add3A_18, %dma_start3A_74] : memref<10000x128xf32, #tpu.memory_space<vmem_shared>> -> memref<128x128xf32, #tpu.memory_space<vmem_shared>>
      tpu.enqueue_dma source(%arg11 : memref<128x128xf32, #tpu.memory_space<vmem>>) target(%dma_start3A_75 : memref<128x128xf32, #tpu.memory_space<vmem_shared>>) target_semaphore(%run_scoped3A : memref<!tpu.dma_semaphore, #tpu.memory_space<semaphore_mem>>)
      %dma_wait3A = arith.constant 0 : i32
      %dma_wait3A_76 = tpu.memref_slice %arg8[%add3A_18, %dma_wait3A] : memref<10000x128xf32, #tpu.memory_space<vmem_shared>> -> memref<128x128xf32, #tpu.memory_space<vmem_shared>>
      %dma_wait3A_77 = arith.constant 0 : i32
      %dma_wait3A_78 = tpu.memref_slice %arg8[%add3A_18, %dma_wait3A_77] : memref<10000x128xf32, #tpu.memory_space<vmem_shared>> -> memref<128x128xf32, #tpu.memory_space<vmem_shared>>
      tpu.wait_dma2 semaphore(%run_scoped3A : memref<!tpu.dma_semaphore, #tpu.memory_space<semaphore_mem>>) src(%arg11 : memref<128x128xf32, #tpu.memory_space<vmem>>) dst(%dma_wait3A_78 : memref<128x128xf32, #tpu.memory_space<vmem_shared>>)
      tpu.yield
    }) : () -> ()
    %add3A_19 = arith.constant 256 : i32
    %add3A_20 = arith.addi %mul3A_0, %add3A_19 : i32
    "tpu.region"() ({
      %run_scoped3A = tpu.sem_alloc : memref<!tpu.dma_semaphore, #tpu.memory_space<semaphore_mem>>
      %dma_start3A = arith.constant 0 : i32
      %dma_start3A_73 = tpu.memref_slice %arg8[%add3A_20, %dma_start3A] : memref<10000x128xf32, #tpu.memory_space<vmem_shared>> -> memref<128x128xf32, #tpu.memory_space<vmem_shared>>
      %dma_start3A_74 = arith.constant 0 : i32
      %dma_start3A_75 = tpu.memref_slice %arg8[%add3A_20, %dma_start3A_74] : memref<10000x128xf32, #tpu.memory_space<vmem_shared>> -> memref<128x128xf32, #tpu.memory_space<vmem_shared>>
      tpu.enqueue_dma source(%arg11 : memref<128x128xf32, #tpu.memory_space<vmem>>) target(%dma_start3A_75 : memref<128x128xf32, #tpu.memory_space<vmem_shared>>) target_semaphore(%run_scoped3A : memref<!tpu.dma_semaphore, #tpu.memory_space<semaphore_mem>>)
      %dma_wait3A = arith.constant 0 : i32
      %dma_wait3A_76 = tpu.memref_slice %arg8[%add3A_20, %dma_wait3A] : memref<10000x128xf32, #tpu.memory_space<vmem_shared>> -> memref<128x128xf32, #tpu.memory_space<vmem_shared>>
      %dma_wait3A_77 = arith.constant 0 : i32
      %dma_wait3A_78 = tpu.memref_slice %arg8[%add3A_20, %dma_wait3A_77] : memref<10000x128xf32, #tpu.memory_space<vmem_shared>> -> memref<128x128xf32, #tpu.memory_space<vmem_shared>>
      tpu.wait_dma2 semaphore(%run_scoped3A : memref<!tpu.dma_semaphore, #tpu.memory_space<semaphore_mem>>) src(%arg11 : memref<128x128xf32, #tpu.memory_space<vmem>>) dst(%dma_wait3A_78 : memref<128x128xf32, #tpu.memory_space<vmem_shared>>)
      tpu.yield
    }) : () -> ()
    %add3A_21 = arith.constant 384 : i32
    %add3A_22 = arith.addi %mul3A_0, %add3A_21 : i32
    "tpu.region"() ({
      %run_scoped3A = tpu.sem_alloc : memref<!tpu.dma_semaphore, #tpu.memory_space<semaphore_mem>>
      %dma_start3A = arith.constant 0 : i32
      %dma_start3A_73 = tpu.memref_slice %arg8[%add3A_22, %dma_start3A] : memref<10000x128xf32, #tpu.memory_space<vmem_shared>> -> memref<128x128xf32, #tpu.memory_space<vmem_shared>>
      %dma_start3A_74 = arith.constant 0 : i32
      %dma_start3A_75 = tpu.memref_slice %arg8[%add3A_22, %dma_start3A_74] : memref<10000x128xf32, #tpu.memory_space<vmem_shared>> -> memref<128x128xf32, #tpu.memory_space<vmem_shared>>
      tpu.enqueue_dma source(%arg11 : memref<128x128xf32, #tpu.memory_space<vmem>>) target(%dma_start3A_75 : memref<128x128xf32, #tpu.memory_space<vmem_shared>>) target_semaphore(%run_scoped3A : memref<!tpu.dma_semaphore, #tpu.memory_space<semaphore_mem>>)
      %dma_wait3A = arith.constant 0 : i32
      %dma_wait3A_76 = tpu.memref_slice %arg8[%add3A_22, %dma_wait3A] : memref<10000x128xf32, #tpu.memory_space<vmem_shared>> -> memref<128x128xf32, #tpu.memory_space<vmem_shared>>
      %dma_wait3A_77 = arith.constant 0 : i32
      %dma_wait3A_78 = tpu.memref_slice %arg8[%add3A_22, %dma_wait3A_77] : memref<10000x128xf32, #tpu.memory_space<vmem_shared>> -> memref<128x128xf32, #tpu.memory_space<vmem_shared>>
      tpu.wait_dma2 semaphore(%run_scoped3A : memref<!tpu.dma_semaphore, #tpu.memory_space<semaphore_mem>>) src(%arg11 : memref<128x128xf32, #tpu.memory_space<vmem>>) dst(%dma_wait3A_78 : memref<128x128xf32, #tpu.memory_space<vmem_shared>>)
      tpu.yield
    }) : () -> ()
    %add3A_23 = arith.constant 512 : i32
    %add3A_24 = arith.addi %mul3A_0, %add3A_23 : i32
    "tpu.region"() ({
      %run_scoped3A = tpu.sem_alloc : memref<!tpu.dma_semaphore, #tpu.memory_space<semaphore_mem>>
      %dma_start3A = arith.constant 0 : i32
      %dma_start3A_73 = arith.constant 0 : i32
      %dma_start3A_74 = tpu.memref_slice %arg11[%dma_start3A, %dma_start3A_73] : memref<128x128xf32, #tpu.memory_space<vmem>> -> memref<112x128xf32, #tpu.memory_space<vmem>>
      %dma_start3A_75 = arith.constant 0 : i32
      %dma_start3A_76 = tpu.memref_slice %arg8[%add3A_24, %dma_start3A_75] : memref<10000x128xf32, #tpu.memory_space<vmem_shared>> -> memref<112x128xf32, #tpu.memory_space<vmem_shared>>
      %dma_start3A_77 = arith.constant 0 : i32
      %dma_start3A_78 = tpu.memref_slice %arg8[%add3A_24, %dma_start3A_77] : memref<10000x128xf32, #tpu.memory_space<vmem_shared>> -> memref<112x128xf32, #tpu.memory_space<vmem_shared>>
      %dma_start3A_79 = arith.constant 0 : i32
      %dma_start3A_80 = arith.constant 0 : i32
      %dma_start3A_81 = tpu.memref_slice %arg11[%dma_start3A_79, %dma_start3A_80] : memref<128x128xf32, #tpu.memory_space<vmem>> -> memref<112x128xf32, #tpu.memory_space<vmem>>
      tpu.enqueue_dma source(%dma_start3A_81 : memref<112x128xf32, #tpu.memory_space<vmem>>) target(%dma_start3A_78 : memref<112x128xf32, #tpu.memory_space<vmem_shared>>) target_semaphore(%run_scoped3A : memref<!tpu.dma_semaphore, #tpu.memory_space<semaphore_mem>>)
      %dma_wait3A = arith.constant 0 : i32
      %dma_wait3A_82 = arith.constant 0 : i32
      %dma_wait3A_83 = tpu.memref_slice %arg11[%dma_wait3A, %dma_wait3A_82] : memref<128x128xf32, #tpu.memory_space<vmem>> -> memref<112x128xf32, #tpu.memory_space<vmem>>
      %dma_wait3A_84 = arith.constant 0 : i32
      %dma_wait3A_85 = tpu.memref_slice %arg8[%add3A_24, %dma_wait3A_84] : memref<10000x128xf32, #tpu.memory_space<vmem_shared>> -> memref<112x128xf32, #tpu.memory_space<vmem_shared>>
      %dma_wait3A_86 = arith.constant 0 : i32
      %dma_wait3A_87 = tpu.memref_slice %arg8[%add3A_24, %dma_wait3A_86] : memref<10000x128xf32, #tpu.memory_space<vmem_shared>> -> memref<112x128xf32, #tpu.memory_space<vmem_shared>>
      %dma_wait3A_88 = arith.constant 0 : i32
      %dma_wait3A_89 = arith.constant 0 : i32
      %dma_wait3A_90 = tpu.memref_slice %arg11[%dma_wait3A_88, %dma_wait3A_89] : memref<128x128xf32, #tpu.memory_space<vmem>> -> memref<112x128xf32, #tpu.memory_space<vmem>>
      tpu.wait_dma2 semaphore(%run_scoped3A : memref<!tpu.dma_semaphore, #tpu.memory_space<semaphore_mem>>) src(%dma_wait3A_90 : memref<112x128xf32, #tpu.memory_space<vmem>>) dst(%dma_wait3A_87 : memref<112x128xf32, #tpu.memory_space<vmem_shared>>)
      tpu.yield
    }) : () -> ()
    %eq3A = arith.constant 15 : i32
    %eq3A_25 = arith.cmpi eq, %arg1, %eq3A : i32
    %convert_element_type3A_26 = arith.extui %eq3A_25 : i1 to i32
    %cond3A_27 = arith.constant 0 : i32
    %cond3A_28 = arith.cmpi ne, %convert_element_type3A_26, %cond3A_27 : i32
    scf.if %cond3A_28 {
      "tpu.region"() ({
        %run_scoped3A = tpu.sem_alloc : memref<!tpu.dma_semaphore, #tpu.memory_space<semaphore_mem>>
        %dma_start3A = arith.constant 0 : i32
        %dma_start3A_73 = arith.constant 0 : i32
        %dma_start3A_74 = tpu.memref_slice %arg11[%dma_start3A, %dma_start3A_73] : memref<128x128xf32, #tpu.memory_space<vmem>> -> memref<16x128xf32, #tpu.memory_space<vmem>>
        %dma_start3A_75 = arith.constant 9984 : i32
        %dma_start3A_76 = arith.constant 0 : i32
        %dma_start3A_77 = tpu.memref_slice %arg8[%dma_start3A_75, %dma_start3A_76] : memref<10000x128xf32, #tpu.memory_space<vmem_shared>> -> memref<16x128xf32, #tpu.memory_space<vmem_shared>>
        %dma_start3A_78 = arith.constant 9984 : i32
        %dma_start3A_79 = arith.constant 0 : i32
        %dma_start3A_80 = tpu.memref_slice %arg8[%dma_start3A_78, %dma_start3A_79] : memref<10000x128xf32, #tpu.memory_space<vmem_shared>> -> memref<16x128xf32, #tpu.memory_space<vmem_shared>>
        %dma_start3A_81 = arith.constant 0 : i32
        %dma_start3A_82 = arith.constant 0 : i32
        %dma_start3A_83 = tpu.memref_slice %arg11[%dma_start3A_81, %dma_start3A_82] : memref<128x128xf32, #tpu.memory_space<vmem>> -> memref<16x128xf32, #tpu.memory_space<vmem>>
        tpu.enqueue_dma source(%dma_start3A_83 : memref<16x128xf32, #tpu.memory_space<vmem>>) target(%dma_start3A_80 : memref<16x128xf32, #tpu.memory_space<vmem_shared>>) target_semaphore(%run_scoped3A : memref<!tpu.dma_semaphore, #tpu.memory_space<semaphore_mem>>)
        %dma_wait3A = arith.constant 0 : i32
        %dma_wait3A_84 = arith.constant 0 : i32
        %dma_wait3A_85 = tpu.memref_slice %arg11[%dma_wait3A, %dma_wait3A_84] : memref<128x128xf32, #tpu.memory_space<vmem>> -> memref<16x128xf32, #tpu.memory_space<vmem>>
        %dma_wait3A_86 = arith.constant 9984 : i32
        %dma_wait3A_87 = arith.constant 0 : i32
        %dma_wait3A_88 = tpu.memref_slice %arg8[%dma_wait3A_86, %dma_wait3A_87] : memref<10000x128xf32, #tpu.memory_space<vmem_shared>> -> memref<16x128xf32, #tpu.memory_space<vmem_shared>>
        %dma_wait3A_89 = arith.constant 9984 : i32
        %dma_wait3A_90 = arith.constant 0 : i32
        %dma_wait3A_91 = tpu.memref_slice %arg8[%dma_wait3A_89, %dma_wait3A_90] : memref<10000x128xf32, #tpu.memory_space<vmem_shared>> -> memref<16x128xf32, #tpu.memory_space<vmem_shared>>
        %dma_wait3A_92 = arith.constant 0 : i32
        %dma_wait3A_93 = arith.constant 0 : i32
        %dma_wait3A_94 = tpu.memref_slice %arg11[%dma_wait3A_92, %dma_wait3A_93] : memref<128x128xf32, #tpu.memory_space<vmem>> -> memref<16x128xf32, #tpu.memory_space<vmem>>
        tpu.wait_dma2 semaphore(%run_scoped3A : memref<!tpu.dma_semaphore, #tpu.memory_space<semaphore_mem>>) src(%dma_wait3A_94 : memref<16x128xf32, #tpu.memory_space<vmem>>) dst(%dma_wait3A_91 : memref<16x128xf32, #tpu.memory_space<vmem_shared>>)
        tpu.yield
      }) : () -> ()
    } else {
    }
    %barrier3A = arith.constant 0 : index
    tpu.barrier barrier_id(%barrier3A)
    %scan3A_29 = arith.constant 0 : i32
    %scan3A_30 = arith.constant 28 : i32
    %scan3A_31 = arith.addi %scan3A_29, %scan3A_30 : i32
    %scan3A_32 = arith.constant 1 : i32
    scf.for %scan3A_73 = %scan3A_29 to %scan3A_31 step %scan3A_32  : i32 {
      %mul3A_74 = arith.constant 3 : i32
      %mul3A_75 = arith.muli %scan3A_73, %mul3A_74 : i32
      %add3A_76 = arith.constant 0 : i32
      %add3A_77 = arith.addi %mul3A_75, %add3A_76 : i32
      %mul3A_78 = arith.constant 16 : i32
      %mul3A_79 = arith.muli %add3A_77, %mul3A_78 : i32
      %add3A_80 = arith.addi %mul3A_79, %arg1 : i32
      %lt3A_81 = arith.constant 1250 : i32
      %lt3A_82 = arith.cmpi slt, %add3A_80, %lt3A_81 : i32
      %convert_element_type3A_83 = arith.extui %lt3A_82 : i1 to i32
      %cond3A_84 = arith.constant 0 : i32
      %cond3A_85 = arith.cmpi ne, %convert_element_type3A_83, %cond3A_84 : i32
      scf.if %cond3A_85 {
        %dma_wait3A = arith.constant 0 : i32
        %dma_wait3A_201 = arith.constant 0 : i32
        %dma_wait3A_202 = tpu.memref_slice %arg12[%dma_wait3A, %dma_wait3A_201] : memref<3x128xi32, #tpu.memory_space<vmem>> -> memref<1x128xi32, #tpu.memory_space<vmem>>
        %dma_wait3A_203 = tpu.memref_squeeze %dma_wait3A_202 : memref<1x128xi32, #tpu.memory_space<vmem>> -> memref<128xi32, #tpu.memory_space<vmem>>
        %dma_wait3A_204 = arith.constant 0 : i32
        %dma_wait3A_205 = tpu.memref_slice %arg3[%dma_wait3A_204] : memref<320000xi32, #tpu.memory_space<hbm>> -> memref<128xi32, #tpu.memory_space<hbm>>
        %dma_wait3A_206 = arith.constant 0 : i32
        %dma_wait3A_207 = tpu.memref_slice %arg12[%dma_wait3A, %dma_wait3A_206] : memref<3x128xi32, #tpu.memory_space<vmem>> -> memref<1x128xi32, #tpu.memory_space<vmem>>
        %dma_wait3A_208 = tpu.memref_squeeze %dma_wait3A_207 : memref<1x128xi32, #tpu.memory_space<vmem>> -> memref<128xi32, #tpu.memory_space<vmem>>
        %dma_wait3A_209 = arith.constant 0 : i32
        %dma_wait3A_210 = tpu.memref_slice %arg3[%dma_wait3A_209] : memref<320000xi32, #tpu.memory_space<hbm>> -> memref<128xi32, #tpu.memory_space<hbm>>
        tpu.wait_dma2 semaphore(%arg13 : memref<!tpu.dma_semaphore, #tpu.memory_space<semaphore_mem>>) src(%dma_wait3A_210 : memref<128xi32, #tpu.memory_space<hbm>>) dst(%dma_wait3A_208 : memref<128xi32, #tpu.memory_space<vmem>>)
        %dma_wait3A_211 = arith.constant 0 : i32
        %dma_wait3A_212 = arith.constant 0 : i32
        %dma_wait3A_213 = tpu.memref_slice %arg2[%dma_wait3A_211, %dma_wait3A_212] : memref<320000x128xf32, #tpu.memory_space<hbm>> -> memref<128x128xf32, #tpu.memory_space<hbm>>
        %dma_wait3A_214 = arith.constant 0 : i32
        %dma_wait3A_215 = arith.constant 0 : i32
        %dma_wait3A_216 = tpu.memref_slice %arg2[%dma_wait3A_214, %dma_wait3A_215] : memref<320000x128xf32, #tpu.memory_space<hbm>> -> memref<128x128xf32, #tpu.memory_space<hbm>>
        tpu.wait_dma2 semaphore(%arg13 : memref<!tpu.dma_semaphore, #tpu.memory_space<semaphore_mem>>) src(%dma_wait3A_216 : memref<128x128xf32, #tpu.memory_space<hbm>>) dst(%arg9 : memref<128x128xf32, #tpu.memory_space<vmem>>)
      } else {
      }
      %mul3A_86 = arith.constant 16 : i32
      %mul3A_87 = arith.muli %add3A_77, %mul3A_86 : i32
      %add3A_88 = arith.addi %mul3A_87, %arg1 : i32
      %lt3A_89 = arith.constant 1250 : i32
      %lt3A_90 = arith.cmpi slt, %add3A_88, %lt3A_89 : i32
      %convert_element_type3A_91 = arith.extui %lt3A_90 : i1 to i32
      %cond3A_92 = arith.constant 0 : i32
      %cond3A_93 = arith.cmpi ne, %convert_element_type3A_91, %cond3A_92 : i32
      scf.if %cond3A_93 {
        %dma_start3A = arith.constant 0 : i32
        %dma_start3A_201 = arith.constant 0 : i32
        %dma_start3A_202 = tpu.memref_slice %arg12[%dma_start3A, %dma_start3A_201] : memref<3x128xi32, #tpu.memory_space<vmem>> -> memref<1x128xi32, #tpu.memory_space<vmem>>
        %dma_start3A_203 = tpu.memref_squeeze %dma_start3A_202 : memref<1x128xi32, #tpu.memory_space<vmem>> -> memref<128xi32, #tpu.memory_space<vmem>>
        %dma_start3A_204 = arith.constant 0 : i32
        %dma_start3A_205 = arith.constant 0 : i32
        %dma_start3A_206 = tpu.memref_slice %arg8[%dma_start3A_204, %dma_start3A_205] : memref<10000x128xf32, #tpu.memory_space<vmem_shared>> -> memref<10000x128xf32, #tpu.memory_space<vmem_shared>>
        tpu.enqueue_indirect_dma source(%arg9 : memref<128x128xf32, #tpu.memory_space<vmem>>) target(%dma_start3A_206 : memref<10000x128xf32, #tpu.memory_space<vmem_shared>>) offsets(%dma_start3A_203 : memref<128xi32, #tpu.memory_space<vmem>>) semaphore(%arg16 : memref<!tpu.dma_semaphore, #tpu.memory_space<semaphore_mem>>) {add = true}
      } else {
      }
      %sub3A = arith.constant 1 : i32
      %sub3A_94 = arith.subi %add3A_77, %sub3A : i32
      %ge3A = arith.constant 0 : i32
      %ge3A_95 = arith.cmpi sge, %sub3A_94, %ge3A : i32
      %mul3A_96 = arith.constant 16 : i32
      %mul3A_97 = arith.muli %sub3A_94, %mul3A_96 : i32
      %add3A_98 = arith.addi %mul3A_97, %arg1 : i32
      %lt3A_99 = arith.constant 1250 : i32
      %lt3A_100 = arith.cmpi slt, %add3A_98, %lt3A_99 : i32
      %and3A_101 = arith.andi %ge3A_95, %lt3A_100 : i1
      %convert_element_type3A_102 = arith.extui %and3A_101 : i1 to i32
      %cond3A_103 = arith.constant 0 : i32
      %cond3A_104 = arith.cmpi ne, %convert_element_type3A_102, %cond3A_103 : i32
      scf.if %cond3A_104 {
        %dma_wait3A = arith.constant 2 : i32
        %dma_wait3A_201 = arith.constant 0 : i32
        %dma_wait3A_202 = tpu.memref_slice %arg12[%dma_wait3A, %dma_wait3A_201] : memref<3x128xi32, #tpu.memory_space<vmem>> -> memref<1x128xi32, #tpu.memory_space<vmem>>
        %dma_wait3A_203 = tpu.memref_squeeze %dma_wait3A_202 : memref<1x128xi32, #tpu.memory_space<vmem>> -> memref<128xi32, #tpu.memory_space<vmem>>
        %dma_wait3A_204 = arith.constant 0 : i32
        %dma_wait3A_205 = arith.constant 0 : i32
        %dma_wait3A_206 = tpu.memref_slice %arg8[%dma_wait3A_204, %dma_wait3A_205] : memref<10000x128xf32, #tpu.memory_space<vmem_shared>> -> memref<10000x128xf32, #tpu.memory_space<vmem_shared>>
        tpu.wait_indirect_dma semaphore(%arg18 : memref<!tpu.dma_semaphore, #tpu.memory_space<semaphore_mem>>) src(%arg11 : memref<128x128xf32, #tpu.memory_space<vmem>>) dst(%dma_wait3A_206 : memref<10000x128xf32, #tpu.memory_space<vmem_shared>>)
      } else {
      }
      %add3A_105 = arith.constant 2 : i32
      %add3A_106 = arith.addi %add3A_77, %add3A_105 : i32
      %mul3A_107 = arith.constant 16 : i32
      %mul3A_108 = arith.muli %add3A_106, %mul3A_107 : i32
      %add3A_109 = arith.addi %mul3A_108, %arg1 : i32
      %lt3A_110 = arith.constant 1250 : i32
      %lt3A_111 = arith.cmpi slt, %add3A_109, %lt3A_110 : i32
      %convert_element_type3A_112 = arith.extui %lt3A_111 : i1 to i32
      %cond3A_113 = arith.constant 0 : i32
      %cond3A_114 = arith.cmpi ne, %convert_element_type3A_112, %cond3A_113 : i32
      scf.if %cond3A_114 {
        %mul3A_201 = arith.constant 1250 : i32
        %mul3A_202 = arith.muli %arg0, %mul3A_201 : i32
        %mul3A_203 = arith.constant 16 : i32
        %mul3A_204 = arith.muli %add3A_106, %mul3A_203 : i32
        %add3A_205 = arith.addi %mul3A_202, %mul3A_204 : i32
        %add3A_206 = arith.addi %add3A_205, %arg1 : i32
        %mul3A_207 = arith.constant 128 : i32
        %mul3A_208 = arith.muli %add3A_206, %mul3A_207 : i32
        %dma_start3A = arith.constant 2 : i32
        %dma_start3A_209 = arith.constant 0 : i32
        %dma_start3A_210 = tpu.memref_slice %arg12[%dma_start3A, %dma_start3A_209] : memref<3x128xi32, #tpu.memory_space<vmem>> -> memref<1x128xi32, #tpu.memory_space<vmem>>
        %dma_start3A_211 = tpu.memref_squeeze %dma_start3A_210 : memref<1x128xi32, #tpu.memory_space<vmem>> -> memref<128xi32, #tpu.memory_space<vmem>>
        %dma_start3A_212 = tpu.memref_slice %arg3[%mul3A_208] : memref<320000xi32, #tpu.memory_space<hbm>> -> memref<128xi32, #tpu.memory_space<hbm>>
        %dma_start3A_213 = arith.constant 0 : i32
        %dma_start3A_214 = tpu.memref_slice %arg12[%dma_start3A, %dma_start3A_213] : memref<3x128xi32, #tpu.memory_space<vmem>> -> memref<1x128xi32, #tpu.memory_space<vmem>>
        %dma_start3A_215 = tpu.memref_squeeze %dma_start3A_214 : memref<1x128xi32, #tpu.memory_space<vmem>> -> memref<128xi32, #tpu.memory_space<vmem>>
        %dma_start3A_216 = tpu.memref_slice %arg3[%mul3A_208] : memref<320000xi32, #tpu.memory_space<hbm>> -> memref<128xi32, #tpu.memory_space<hbm>>
        tpu.enqueue_dma source(%dma_start3A_216 : memref<128xi32, #tpu.memory_space<hbm>>) target(%dma_start3A_215 : memref<128xi32, #tpu.memory_space<vmem>>) target_semaphore(%arg15 : memref<!tpu.dma_semaphore, #tpu.memory_space<semaphore_mem>>)
        %mul3A_217 = arith.constant 128 : i32
        %mul3A_218 = arith.muli %add3A_206, %mul3A_217 : i32
        %dma_start3A_219 = arith.constant 0 : i32
        %dma_start3A_220 = tpu.memref_slice %arg2[%mul3A_218, %dma_start3A_219] : memref<320000x128xf32, #tpu.memory_space<hbm>> -> memref<128x128xf32, #tpu.memory_space<hbm>>
        %dma_start3A_221 = arith.constant 0 : i32
        %dma_start3A_222 = tpu.memref_slice %arg2[%mul3A_218, %dma_start3A_221] : memref<320000x128xf32, #tpu.memory_space<hbm>> -> memref<128x128xf32, #tpu.memory_space<hbm>>
        tpu.enqueue_dma source(%dma_start3A_222 : memref<128x128xf32, #tpu.memory_space<hbm>>) target(%arg11 : memref<128x128xf32, #tpu.memory_space<vmem>>) target_semaphore(%arg15 : memref<!tpu.dma_semaphore, #tpu.memory_space<semaphore_mem>>)
      } else {
      }
      %mul3A_115 = arith.constant 3 : i32
      %mul3A_116 = arith.muli %scan3A_73, %mul3A_115 : i32
      %add3A_117 = arith.constant 1 : i32
      %add3A_118 = arith.addi %mul3A_116, %add3A_117 : i32
      %mul3A_119 = arith.constant 16 : i32
      %mul3A_120 = arith.muli %add3A_118, %mul3A_119 : i32
      %add3A_121 = arith.addi %mul3A_120, %arg1 : i32
      %lt3A_122 = arith.constant 1250 : i32
      %lt3A_123 = arith.cmpi slt, %add3A_121, %lt3A_122 : i32
      %convert_element_type3A_124 = arith.extui %lt3A_123 : i1 to i32
      %cond3A_125 = arith.constant 0 : i32
      %cond3A_126 = arith.cmpi ne, %convert_element_type3A_124, %cond3A_125 : i32
      scf.if %cond3A_126 {
        %dma_wait3A = arith.constant 1 : i32
        %dma_wait3A_201 = arith.constant 0 : i32
        %dma_wait3A_202 = tpu.memref_slice %arg12[%dma_wait3A, %dma_wait3A_201] : memref<3x128xi32, #tpu.memory_space<vmem>> -> memref<1x128xi32, #tpu.memory_space<vmem>>
        %dma_wait3A_203 = tpu.memref_squeeze %dma_wait3A_202 : memref<1x128xi32, #tpu.memory_space<vmem>> -> memref<128xi32, #tpu.memory_space<vmem>>
        %dma_wait3A_204 = arith.constant 0 : i32
        %dma_wait3A_205 = tpu.memref_slice %arg3[%dma_wait3A_204] : memref<320000xi32, #tpu.memory_space<hbm>> -> memref<128xi32, #tpu.memory_space<hbm>>
        %dma_wait3A_206 = arith.constant 0 : i32
        %dma_wait3A_207 = tpu.memref_slice %arg12[%dma_wait3A, %dma_wait3A_206] : memref<3x128xi32, #tpu.memory_space<vmem>> -> memref<1x128xi32, #tpu.memory_space<vmem>>
        %dma_wait3A_208 = tpu.memref_squeeze %dma_wait3A_207 : memref<1x128xi32, #tpu.memory_space<vmem>> -> memref<128xi32, #tpu.memory_space<vmem>>
        %dma_wait3A_209 = arith.constant 0 : i32
        %dma_wait3A_210 = tpu.memref_slice %arg3[%dma_wait3A_209] : memref<320000xi32, #tpu.memory_space<hbm>> -> memref<128xi32, #tpu.memory_space<hbm>>
        tpu.wait_dma2 semaphore(%arg14 : memref<!tpu.dma_semaphore, #tpu.memory_space<semaphore_mem>>) src(%dma_wait3A_210 : memref<128xi32, #tpu.memory_space<hbm>>) dst(%dma_wait3A_208 : memref<128xi32, #tpu.memory_space<vmem>>)
        %dma_wait3A_211 = arith.constant 0 : i32
        %dma_wait3A_212 = arith.constant 0 : i32
        %dma_wait3A_213 = tpu.memref_slice %arg2[%dma_wait3A_211, %dma_wait3A_212] : memref<320000x128xf32, #tpu.memory_space<hbm>> -> memref<128x128xf32, #tpu.memory_space<hbm>>
        %dma_wait3A_214 = arith.constant 0 : i32
        %dma_wait3A_215 = arith.constant 0 : i32
        %dma_wait3A_216 = tpu.memref_slice %arg2[%dma_wait3A_214, %dma_wait3A_215] : memref<320000x128xf32, #tpu.memory_space<hbm>> -> memref<128x128xf32, #tpu.memory_space<hbm>>
        tpu.wait_dma2 semaphore(%arg14 : memref<!tpu.dma_semaphore, #tpu.memory_space<semaphore_mem>>) src(%dma_wait3A_216 : memref<128x128xf32, #tpu.memory_space<hbm>>) dst(%arg10 : memref<128x128xf32, #tpu.memory_space<vmem>>)
      } else {
      }
      %mul3A_127 = arith.constant 16 : i32
      %mul3A_128 = arith.muli %add3A_118, %mul3A_127 : i32
      %add3A_129 = arith.addi %mul3A_128, %arg1 : i32
      %lt3A_130 = arith.constant 1250 : i32
      %lt3A_131 = arith.cmpi slt, %add3A_129, %lt3A_130 : i32
      %convert_element_type3A_132 = arith.extui %lt3A_131 : i1 to i32
      %cond3A_133 = arith.constant 0 : i32
      %cond3A_134 = arith.cmpi ne, %convert_element_type3A_132, %cond3A_133 : i32
      scf.if %cond3A_134 {
        %dma_start3A = arith.constant 1 : i32
        %dma_start3A_201 = arith.constant 0 : i32
        %dma_start3A_202 = tpu.memref_slice %arg12[%dma_start3A, %dma_start3A_201] : memref<3x128xi32, #tpu.memory_space<vmem>> -> memref<1x128xi32, #tpu.memory_space<vmem>>
        %dma_start3A_203 = tpu.memref_squeeze %dma_start3A_202 : memref<1x128xi32, #tpu.memory_space<vmem>> -> memref<128xi32, #tpu.memory_space<vmem>>
        %dma_start3A_204 = arith.constant 0 : i32
        %dma_start3A_205 = arith.constant 0 : i32
        %dma_start3A_206 = tpu.memref_slice %arg8[%dma_start3A_204, %dma_start3A_205] : memref<10000x128xf32, #tpu.memory_space<vmem_shared>> -> memref<10000x128xf32, #tpu.memory_space<vmem_shared>>
        tpu.enqueue_indirect_dma source(%arg10 : memref<128x128xf32, #tpu.memory_space<vmem>>) target(%dma_start3A_206 : memref<10000x128xf32, #tpu.memory_space<vmem_shared>>) offsets(%dma_start3A_203 : memref<128xi32, #tpu.memory_space<vmem>>) semaphore(%arg17 : memref<!tpu.dma_semaphore, #tpu.memory_space<semaphore_mem>>) {add = true}
      } else {
      }
      %sub3A_135 = arith.constant 1 : i32
      %sub3A_136 = arith.subi %add3A_118, %sub3A_135 : i32
      %ge3A_137 = arith.constant 0 : i32
      %ge3A_138 = arith.cmpi sge, %sub3A_136, %ge3A_137 : i32
      %mul3A_139 = arith.constant 16 : i32
      %mul3A_140 = arith.muli %sub3A_136, %mul3A_139 : i32
      %add3A_141 = arith.addi %mul3A_140, %arg1 : i32
      %lt3A_142 = arith.constant 1250 : i32
      %lt3A_143 = arith.cmpi slt, %add3A_141, %lt3A_142 : i32
      %and3A_144 = arith.andi %ge3A_138, %lt3A_143 : i1
      %convert_element_type3A_145 = arith.extui %and3A_144 : i1 to i32
      %cond3A_146 = arith.constant 0 : i32
      %cond3A_147 = arith.cmpi ne, %convert_element_type3A_145, %cond3A_146 : i32
      scf.if %cond3A_147 {
        %dma_wait3A = arith.constant 0 : i32
        %dma_wait3A_201 = arith.constant 0 : i32
        %dma_wait3A_202 = tpu.memref_slice %arg12[%dma_wait3A, %dma_wait3A_201] : memref<3x128xi32, #tpu.memory_space<vmem>> -> memref<1x128xi32, #tpu.memory_space<vmem>>
        %dma_wait3A_203 = tpu.memref_squeeze %dma_wait3A_202 : memref<1x128xi32, #tpu.memory_space<vmem>> -> memref<128xi32, #tpu.memory_space<vmem>>
        %dma_wait3A_204 = arith.constant 0 : i32
        %dma_wait3A_205 = arith.constant 0 : i32
        %dma_wait3A_206 = tpu.memref_slice %arg8[%dma_wait3A_204, %dma_wait3A_205] : memref<10000x128xf32, #tpu.memory_space<vmem_shared>> -> memref<10000x128xf32, #tpu.memory_space<vmem_shared>>
        tpu.wait_indirect_dma semaphore(%arg16 : memref<!tpu.dma_semaphore, #tpu.memory_space<semaphore_mem>>) src(%arg9 : memref<128x128xf32, #tpu.memory_space<vmem>>) dst(%dma_wait3A_206 : memref<10000x128xf32, #tpu.memory_space<vmem_shared>>)
      } else {
      }
      %add3A_148 = arith.constant 2 : i32
      %add3A_149 = arith.addi %add3A_118, %add3A_148 : i32
      %mul3A_150 = arith.constant 16 : i32
      %mul3A_151 = arith.muli %add3A_149, %mul3A_150 : i32
      %add3A_152 = arith.addi %mul3A_151, %arg1 : i32
      %lt3A_153 = arith.constant 1250 : i32
      %lt3A_154 = arith.cmpi slt, %add3A_152, %lt3A_153 : i32
      %convert_element_type3A_155 = arith.extui %lt3A_154 : i1 to i32
      %cond3A_156 = arith.constant 0 : i32
      %cond3A_157 = arith.cmpi ne, %convert_element_type3A_155, %cond3A_156 : i32
      scf.if %cond3A_157 {
        %mul3A_201 = arith.constant 1250 : i32
        %mul3A_202 = arith.muli %arg0, %mul3A_201 : i32
        %mul3A_203 = arith.constant 16 : i32
        %mul3A_204 = arith.muli %add3A_149, %mul3A_203 : i32
        %add3A_205 = arith.addi %mul3A_202, %mul3A_204 : i32
        %add3A_206 = arith.addi %add3A_205, %arg1 : i32
        %mul3A_207 = arith.constant 128 : i32
        %mul3A_208 = arith.muli %add3A_206, %mul3A_207 : i32
        %dma_start3A = arith.constant 0 : i32
        %dma_start3A_209 = arith.constant 0 : i32
        %dma_start3A_210 = tpu.memref_slice %arg12[%dma_start3A, %dma_start3A_209] : memref<3x128xi32, #tpu.memory_space<vmem>> -> memref<1x128xi32, #tpu.memory_space<vmem>>
        %dma_start3A_211 = tpu.memref_squeeze %dma_start3A_210 : memref<1x128xi32, #tpu.memory_space<vmem>> -> memref<128xi32, #tpu.memory_space<vmem>>
        %dma_start3A_212 = tpu.memref_slice %arg3[%mul3A_208] : memref<320000xi32, #tpu.memory_space<hbm>> -> memref<128xi32, #tpu.memory_space<hbm>>
        %dma_start3A_213 = arith.constant 0 : i32
        %dma_start3A_214 = tpu.memref_slice %arg12[%dma_start3A, %dma_start3A_213] : memref<3x128xi32, #tpu.memory_space<vmem>> -> memref<1x128xi32, #tpu.memory_space<vmem>>
        %dma_start3A_215 = tpu.memref_squeeze %dma_start3A_214 : memref<1x128xi32, #tpu.memory_space<vmem>> -> memref<128xi32, #tpu.memory_space<vmem>>
        %dma_start3A_216 = tpu.memref_slice %arg3[%mul3A_208] : memref<320000xi32, #tpu.memory_space<hbm>> -> memref<128xi32, #tpu.memory_space<hbm>>
        tpu.enqueue_dma source(%dma_start3A_216 : memref<128xi32, #tpu.memory_space<hbm>>) target(%dma_start3A_215 : memref<128xi32, #tpu.memory_space<vmem>>) target_semaphore(%arg13 : memref<!tpu.dma_semaphore, #tpu.memory_space<semaphore_mem>>)
        %mul3A_217 = arith.constant 128 : i32
        %mul3A_218 = arith.muli %add3A_206, %mul3A_217 : i32
        %dma_start3A_219 = arith.constant 0 : i32
        %dma_start3A_220 = tpu.memref_slice %arg2[%mul3A_218, %dma_start3A_219] : memref<320000x128xf32, #tpu.memory_space<hbm>> -> memref<128x128xf32, #tpu.memory_space<hbm>>
        %dma_start3A_221 = arith.constant 0 : i32
        %dma_start3A_222 = tpu.memref_slice %arg2[%mul3A_218, %dma_start3A_221] : memref<320000x128xf32, #tpu.memory_space<hbm>> -> memref<128x128xf32, #tpu.memory_space<hbm>>
        tpu.enqueue_dma source(%dma_start3A_222 : memref<128x128xf32, #tpu.memory_space<hbm>>) target(%arg9 : memref<128x128xf32, #tpu.memory_space<vmem>>) target_semaphore(%arg13 : memref<!tpu.dma_semaphore, #tpu.memory_space<semaphore_mem>>)
      } else {
      }
      %mul3A_158 = arith.constant 3 : i32
      %mul3A_159 = arith.muli %scan3A_73, %mul3A_158 : i32
      %add3A_160 = arith.constant 2 : i32
      %add3A_161 = arith.addi %mul3A_159, %add3A_160 : i32
      %mul3A_162 = arith.constant 16 : i32
      %mul3A_163 = arith.muli %add3A_161, %mul3A_162 : i32
      %add3A_164 = arith.addi %mul3A_163, %arg1 : i32
      %lt3A_165 = arith.constant 1250 : i32
      %lt3A_166 = arith.cmpi slt, %add3A_164, %lt3A_165 : i32
      %convert_element_type3A_167 = arith.extui %lt3A_166 : i1 to i32
      %cond3A_168 = arith.constant 0 : i32
      %cond3A_169 = arith.cmpi ne, %convert_element_type3A_167, %cond3A_168 : i32
      scf.if %cond3A_169 {
        %dma_wait3A = arith.constant 2 : i32
        %dma_wait3A_201 = arith.constant 0 : i32
        %dma_wait3A_202 = tpu.memref_slice %arg12[%dma_wait3A, %dma_wait3A_201] : memref<3x128xi32, #tpu.memory_space<vmem>> -> memref<1x128xi32, #tpu.memory_space<vmem>>
        %dma_wait3A_203 = tpu.memref_squeeze %dma_wait3A_202 : memref<1x128xi32, #tpu.memory_space<vmem>> -> memref<128xi32, #tpu.memory_space<vmem>>
        %dma_wait3A_204 = arith.constant 0 : i32
        %dma_wait3A_205 = tpu.memref_slice %arg3[%dma_wait3A_204] : memref<320000xi32, #tpu.memory_space<hbm>> -> memref<128xi32, #tpu.memory_space<hbm>>
        %dma_wait3A_206 = arith.constant 0 : i32
        %dma_wait3A_207 = tpu.memref_slice %arg12[%dma_wait3A, %dma_wait3A_206] : memref<3x128xi32, #tpu.memory_space<vmem>> -> memref<1x128xi32, #tpu.memory_space<vmem>>
        %dma_wait3A_208 = tpu.memref_squeeze %dma_wait3A_207 : memref<1x128xi32, #tpu.memory_space<vmem>> -> memref<128xi32, #tpu.memory_space<vmem>>
        %dma_wait3A_209 = arith.constant 0 : i32
        %dma_wait3A_210 = tpu.memref_slice %arg3[%dma_wait3A_209] : memref<320000xi32, #tpu.memory_space<hbm>> -> memref<128xi32, #tpu.memory_space<hbm>>
        tpu.wait_dma2 semaphore(%arg15 : memref<!tpu.dma_semaphore, #tpu.memory_space<semaphore_mem>>) src(%dma_wait3A_210 : memref<128xi32, #tpu.memory_space<hbm>>) dst(%dma_wait3A_208 : memref<128xi32, #tpu.memory_space<vmem>>)
        %dma_wait3A_211 = arith.constant 0 : i32
        %dma_wait3A_212 = arith.constant 0 : i32
        %dma_wait3A_213 = tpu.memref_slice %arg2[%dma_wait3A_211, %dma_wait3A_212] : memref<320000x128xf32, #tpu.memory_space<hbm>> -> memref<128x128xf32, #tpu.memory_space<hbm>>
        %dma_wait3A_214 = arith.constant 0 : i32
        %dma_wait3A_215 = arith.constant 0 : i32
        %dma_wait3A_216 = tpu.memref_slice %arg2[%dma_wait3A_214, %dma_wait3A_215] : memref<320000x128xf32, #tpu.memory_space<hbm>> -> memref<128x128xf32, #tpu.memory_space<hbm>>
        tpu.wait_dma2 semaphore(%arg15 : memref<!tpu.dma_semaphore, #tpu.memory_space<semaphore_mem>>) src(%dma_wait3A_216 : memref<128x128xf32, #tpu.memory_space<hbm>>) dst(%arg11 : memref<128x128xf32, #tpu.memory_space<vmem>>)
      } else {
      }
      %mul3A_170 = arith.constant 16 : i32
      %mul3A_171 = arith.muli %add3A_161, %mul3A_170 : i32
      %add3A_172 = arith.addi %mul3A_171, %arg1 : i32
      %lt3A_173 = arith.constant 1250 : i32
      %lt3A_174 = arith.cmpi slt, %add3A_172, %lt3A_173 : i32
      %convert_element_type3A_175 = arith.extui %lt3A_174 : i1 to i32
      %cond3A_176 = arith.constant 0 : i32
      %cond3A_177 = arith.cmpi ne, %convert_element_type3A_175, %cond3A_176 : i32
      scf.if %cond3A_177 {
        %dma_start3A = arith.constant 2 : i32
        %dma_start3A_201 = arith.constant 0 : i32
        %dma_start3A_202 = tpu.memref_slice %arg12[%dma_start3A, %dma_start3A_201] : memref<3x128xi32, #tpu.memory_space<vmem>> -> memref<1x128xi32, #tpu.memory_space<vmem>>
        %dma_start3A_203 = tpu.memref_squeeze %dma_start3A_202 : memref<1x128xi32, #tpu.memory_space<vmem>> -> memref<128xi32, #tpu.memory_space<vmem>>
        %dma_start3A_204 = arith.constant 0 : i32
        %dma_start3A_205 = arith.constant 0 : i32
        %dma_start3A_206 = tpu.memref_slice %arg8[%dma_start3A_204, %dma_start3A_205] : memref<10000x128xf32, #tpu.memory_space<vmem_shared>> -> memref<10000x128xf32, #tpu.memory_space<vmem_shared>>
        tpu.enqueue_indirect_dma source(%arg11 : memref<128x128xf32, #tpu.memory_space<vmem>>) target(%dma_start3A_206 : memref<10000x128xf32, #tpu.memory_space<vmem_shared>>) offsets(%dma_start3A_203 : memref<128xi32, #tpu.memory_space<vmem>>) semaphore(%arg18 : memref<!tpu.dma_semaphore, #tpu.memory_space<semaphore_mem>>) {add = true}
      } else {
      }
      %sub3A_178 = arith.constant 1 : i32
      %sub3A_179 = arith.subi %add3A_161, %sub3A_178 : i32
      %ge3A_180 = arith.constant 0 : i32
      %ge3A_181 = arith.cmpi sge, %sub3A_179, %ge3A_180 : i32
      %mul3A_182 = arith.constant 16 : i32
      %mul3A_183 = arith.muli %sub3A_179, %mul3A_182 : i32
      %add3A_184 = arith.addi %mul3A_183, %arg1 : i32
      %lt3A_185 = arith.constant 1250 : i32
      %lt3A_186 = arith.cmpi slt, %add3A_184, %lt3A_185 : i32
      %and3A_187 = arith.andi %ge3A_181, %lt3A_186 : i1
      %convert_element_type3A_188 = arith.extui %and3A_187 : i1 to i32
      %cond3A_189 = arith.constant 0 : i32
      %cond3A_190 = arith.cmpi ne, %convert_element_type3A_188, %cond3A_189 : i32
      scf.if %cond3A_190 {
        %dma_wait3A = arith.constant 1 : i32
        %dma_wait3A_201 = arith.constant 0 : i32
        %dma_wait3A_202 = tpu.memref_slice %arg12[%dma_wait3A, %dma_wait3A_201] : memref<3x128xi32, #tpu.memory_space<vmem>> -> memref<1x128xi32, #tpu.memory_space<vmem>>
        %dma_wait3A_203 = tpu.memref_squeeze %dma_wait3A_202 : memref<1x128xi32, #tpu.memory_space<vmem>> -> memref<128xi32, #tpu.memory_space<vmem>>
        %dma_wait3A_204 = arith.constant 0 : i32
        %dma_wait3A_205 = arith.constant 0 : i32
        %dma_wait3A_206 = tpu.memref_slice %arg8[%dma_wait3A_204, %dma_wait3A_205] : memref<10000x128xf32, #tpu.memory_space<vmem_shared>> -> memref<10000x128xf32, #tpu.memory_space<vmem_shared>>
        tpu.wait_indirect_dma semaphore(%arg17 : memref<!tpu.dma_semaphore, #tpu.memory_space<semaphore_mem>>) src(%arg10 : memref<128x128xf32, #tpu.memory_space<vmem>>) dst(%dma_wait3A_206 : memref<10000x128xf32, #tpu.memory_space<vmem_shared>>)
      } else {
      }
      %add3A_191 = arith.constant 2 : i32
      %add3A_192 = arith.addi %add3A_161, %add3A_191 : i32
      %mul3A_193 = arith.constant 16 : i32
      %mul3A_194 = arith.muli %add3A_192, %mul3A_193 : i32
      %add3A_195 = arith.addi %mul3A_194, %arg1 : i32
      %lt3A_196 = arith.constant 1250 : i32
      %lt3A_197 = arith.cmpi slt, %add3A_195, %lt3A_196 : i32
      %convert_element_type3A_198 = arith.extui %lt3A_197 : i1 to i32
      %cond3A_199 = arith.constant 0 : i32
      %cond3A_200 = arith.cmpi ne, %convert_element_type3A_198, %cond3A_199 : i32
      scf.if %cond3A_200 {
        %mul3A_201 = arith.constant 1250 : i32
        %mul3A_202 = arith.muli %arg0, %mul3A_201 : i32
        %mul3A_203 = arith.constant 16 : i32
        %mul3A_204 = arith.muli %add3A_192, %mul3A_203 : i32
        %add3A_205 = arith.addi %mul3A_202, %mul3A_204 : i32
        %add3A_206 = arith.addi %add3A_205, %arg1 : i32
        %mul3A_207 = arith.constant 128 : i32
        %mul3A_208 = arith.muli %add3A_206, %mul3A_207 : i32
        %dma_start3A = arith.constant 1 : i32
        %dma_start3A_209 = arith.constant 0 : i32
        %dma_start3A_210 = tpu.memref_slice %arg12[%dma_start3A, %dma_start3A_209] : memref<3x128xi32, #tpu.memory_space<vmem>> -> memref<1x128xi32, #tpu.memory_space<vmem>>
        %dma_start3A_211 = tpu.memref_squeeze %dma_start3A_210 : memref<1x128xi32, #tpu.memory_space<vmem>> -> memref<128xi32, #tpu.memory_space<vmem>>
        %dma_start3A_212 = tpu.memref_slice %arg3[%mul3A_208] : memref<320000xi32, #tpu.memory_space<hbm>> -> memref<128xi32, #tpu.memory_space<hbm>>
        %dma_start3A_213 = arith.constant 0 : i32
        %dma_start3A_214 = tpu.memref_slice %arg12[%dma_start3A, %dma_start3A_213] : memref<3x128xi32, #tpu.memory_space<vmem>> -> memref<1x128xi32, #tpu.memory_space<vmem>>
        %dma_start3A_215 = tpu.memref_squeeze %dma_start3A_214 : memref<1x128xi32, #tpu.memory_space<vmem>> -> memref<128xi32, #tpu.memory_space<vmem>>
        %dma_start3A_216 = tpu.memref_slice %arg3[%mul3A_208] : memref<320000xi32, #tpu.memory_space<hbm>> -> memref<128xi32, #tpu.memory_space<hbm>>
        tpu.enqueue_dma source(%dma_start3A_216 : memref<128xi32, #tpu.memory_space<hbm>>) target(%dma_start3A_215 : memref<128xi32, #tpu.memory_space<vmem>>) target_semaphore(%arg14 : memref<!tpu.dma_semaphore, #tpu.memory_space<semaphore_mem>>)
        %mul3A_217 = arith.constant 128 : i32
        %mul3A_218 = arith.muli %add3A_206, %mul3A_217 : i32
        %dma_start3A_219 = arith.constant 0 : i32
        %dma_start3A_220 = tpu.memref_slice %arg2[%mul3A_218, %dma_start3A_219] : memref<320000x128xf32, #tpu.memory_space<hbm>> -> memref<128x128xf32, #tpu.memory_space<hbm>>
        %dma_start3A_221 = arith.constant 0 : i32
        %dma_start3A_222 = tpu.memref_slice %arg2[%mul3A_218, %dma_start3A_221] : memref<320000x128xf32, #tpu.memory_space<hbm>> -> memref<128x128xf32, #tpu.memory_space<hbm>>
        tpu.enqueue_dma source(%dma_start3A_222 : memref<128x128xf32, #tpu.memory_space<hbm>>) target(%arg10 : memref<128x128xf32, #tpu.memory_space<vmem>>) target_semaphore(%arg14 : memref<!tpu.dma_semaphore, #tpu.memory_space<semaphore_mem>>)
      } else {
      }
    }
    %scan3A_33 = arith.constant 28 : i32
    %barrier3A_34 = arith.constant 0 : index
    tpu.barrier barrier_id(%barrier3A_34)
    %add3A_35 = arith.constant 0 : i32
    %add3A_36 = arith.addi %add3A_35, %arg1 : i32
    %lt3A_37 = arith.constant 156 : i32
    %lt3A_38 = arith.cmpi slt, %add3A_36, %lt3A_37 : i32
    %convert_element_type3A_39 = arith.extui %lt3A_38 : i1 to i32
    %cond3A_40 = arith.constant 0 : i32
    %cond3A_41 = arith.cmpi ne, %convert_element_type3A_39, %cond3A_40 : i32
    scf.if %cond3A_41 {
      %mul3A_73 = arith.constant 156 : i32
      %mul3A_74 = arith.muli %arg0, %mul3A_73 : i32
      %add3A_75 = arith.constant 0 : i32
      %add3A_76 = arith.addi %mul3A_74, %add3A_75 : i32
      %add3A_77 = arith.addi %add3A_76, %arg1 : i32
      %mul3A_78 = arith.constant 128 : i32
      %mul3A_79 = arith.muli %add3A_77, %mul3A_78 : i32
      %dma_start3A = arith.constant 0 : i32
      %dma_start3A_80 = arith.constant 0 : i32
      %dma_start3A_81 = tpu.memref_slice %arg12[%dma_start3A, %dma_start3A_80] : memref<3x128xi32, #tpu.memory_space<vmem>> -> memref<1x128xi32, #tpu.memory_space<vmem>>
      %dma_start3A_82 = tpu.memref_squeeze %dma_start3A_81 : memref<1x128xi32, #tpu.memory_space<vmem>> -> memref<128xi32, #tpu.memory_space<vmem>>
      %dma_start3A_83 = tpu.memref_slice %arg5[%mul3A_79] : memref<40000xi32, #tpu.memory_space<hbm>> -> memref<128xi32, #tpu.memory_space<hbm>>
      %dma_start3A_84 = arith.constant 0 : i32
      %dma_start3A_85 = tpu.memref_slice %arg12[%dma_start3A, %dma_start3A_84] : memref<3x128xi32, #tpu.memory_space<vmem>> -> memref<1x128xi32, #tpu.memory_space<vmem>>
      %dma_start3A_86 = tpu.memref_squeeze %dma_start3A_85 : memref<1x128xi32, #tpu.memory_space<vmem>> -> memref<128xi32, #tpu.memory_space<vmem>>
      %dma_start3A_87 = tpu.memref_slice %arg5[%mul3A_79] : memref<40000xi32, #tpu.memory_space<hbm>> -> memref<128xi32, #tpu.memory_space<hbm>>
      tpu.enqueue_dma source(%dma_start3A_87 : memref<128xi32, #tpu.memory_space<hbm>>) target(%dma_start3A_86 : memref<128xi32, #tpu.memory_space<vmem>>) target_semaphore(%arg13 : memref<!tpu.dma_semaphore, #tpu.memory_space<semaphore_mem>>)
      %mul3A_88 = arith.constant 128 : i32
      %mul3A_89 = arith.muli %add3A_77, %mul3A_88 : i32
      %dma_start3A_90 = arith.constant 0 : i32
      %dma_start3A_91 = tpu.memref_slice %arg4[%mul3A_89, %dma_start3A_90] : memref<40000x128xf32, #tpu.memory_space<hbm>> -> memref<128x128xf32, #tpu.memory_space<hbm>>
      %dma_start3A_92 = arith.constant 0 : i32
      %dma_start3A_93 = tpu.memref_slice %arg4[%mul3A_89, %dma_start3A_92] : memref<40000x128xf32, #tpu.memory_space<hbm>> -> memref<128x128xf32, #tpu.memory_space<hbm>>
      tpu.enqueue_dma source(%dma_start3A_93 : memref<128x128xf32, #tpu.memory_space<hbm>>) target(%arg9 : memref<128x128xf32, #tpu.memory_space<vmem>>) target_semaphore(%arg13 : memref<!tpu.dma_semaphore, #tpu.memory_space<semaphore_mem>>)
    } else {
    }
    %add3A_42 = arith.constant 16 : i32
    %add3A_43 = arith.addi %add3A_42, %arg1 : i32
    %lt3A_44 = arith.constant 156 : i32
    %lt3A_45 = arith.cmpi slt, %add3A_43, %lt3A_44 : i32
    %convert_element_type3A_46 = arith.extui %lt3A_45 : i1 to i32
    %cond3A_47 = arith.constant 0 : i32
    %cond3A_48 = arith.cmpi ne, %convert_element_type3A_46, %cond3A_47 : i32
    scf.if %cond3A_48 {
      %mul3A_73 = arith.constant 156 : i32
      %mul3A_74 = arith.muli %arg0, %mul3A_73 : i32
      %add3A_75 = arith.constant 16 : i32
      %add3A_76 = arith.addi %mul3A_74, %add3A_75 : i32
      %add3A_77 = arith.addi %add3A_76, %arg1 : i32
      %mul3A_78 = arith.constant 128 : i32
      %mul3A_79 = arith.muli %add3A_77, %mul3A_78 : i32
      %dma_start3A = arith.constant 1 : i32
      %dma_start3A_80 = arith.constant 0 : i32
      %dma_start3A_81 = tpu.memref_slice %arg12[%dma_start3A, %dma_start3A_80] : memref<3x128xi32, #tpu.memory_space<vmem>> -> memref<1x128xi32, #tpu.memory_space<vmem>>
      %dma_start3A_82 = tpu.memref_squeeze %dma_start3A_81 : memref<1x128xi32, #tpu.memory_space<vmem>> -> memref<128xi32, #tpu.memory_space<vmem>>
      %dma_start3A_83 = tpu.memref_slice %arg5[%mul3A_79] : memref<40000xi32, #tpu.memory_space<hbm>> -> memref<128xi32, #tpu.memory_space<hbm>>
      %dma_start3A_84 = arith.constant 0 : i32
      %dma_start3A_85 = tpu.memref_slice %arg12[%dma_start3A, %dma_start3A_84] : memref<3x128xi32, #tpu.memory_space<vmem>> -> memref<1x128xi32, #tpu.memory_space<vmem>>
      %dma_start3A_86 = tpu.memref_squeeze %dma_start3A_85 : memref<1x128xi32, #tpu.memory_space<vmem>> -> memref<128xi32, #tpu.memory_space<vmem>>
      %dma_start3A_87 = tpu.memref_slice %arg5[%mul3A_79] : memref<40000xi32, #tpu.memory_space<hbm>> -> memref<128xi32, #tpu.memory_space<hbm>>
      tpu.enqueue_dma source(%dma_start3A_87 : memref<128xi32, #tpu.memory_space<hbm>>) target(%dma_start3A_86 : memref<128xi32, #tpu.memory_space<vmem>>) target_semaphore(%arg14 : memref<!tpu.dma_semaphore, #tpu.memory_space<semaphore_mem>>)
      %mul3A_88 = arith.constant 128 : i32
      %mul3A_89 = arith.muli %add3A_77, %mul3A_88 : i32
      %dma_start3A_90 = arith.constant 0 : i32
      %dma_start3A_91 = tpu.memref_slice %arg4[%mul3A_89, %dma_start3A_90] : memref<40000x128xf32, #tpu.memory_space<hbm>> -> memref<128x128xf32, #tpu.memory_space<hbm>>
      %dma_start3A_92 = arith.constant 0 : i32
      %dma_start3A_93 = tpu.memref_slice %arg4[%mul3A_89, %dma_start3A_92] : memref<40000x128xf32, #tpu.memory_space<hbm>> -> memref<128x128xf32, #tpu.memory_space<hbm>>
      tpu.enqueue_dma source(%dma_start3A_93 : memref<128x128xf32, #tpu.memory_space<hbm>>) target(%arg10 : memref<128x128xf32, #tpu.memory_space<vmem>>) target_semaphore(%arg14 : memref<!tpu.dma_semaphore, #tpu.memory_space<semaphore_mem>>)
    } else {
    }
    "tpu.region"() ({
      %run_scoped3A = tpu.sem_alloc : memref<!tpu.dma_semaphore, #tpu.memory_space<semaphore_mem>>
      %dma_start3A = arith.constant 0 : i32
      %dma_start3A_73 = tpu.memref_slice %arg6[%arg0, %mul3A_0, %dma_start3A] : memref<2x10000x128xf32, #tpu.memory_space<hbm>> -> memref<1x624x128xf32, #tpu.memory_space<hbm>>
      %dma_start3A_74 = tpu.memref_squeeze %dma_start3A_73 : memref<1x624x128xf32, #tpu.memory_space<hbm>> -> memref<624x128xf32, #tpu.memory_space<hbm>>
      %dma_start3A_75 = arith.constant 0 : i32
      %dma_start3A_76 = tpu.memref_slice %arg8[%mul3A_0, %dma_start3A_75] : memref<10000x128xf32, #tpu.memory_space<vmem_shared>> -> memref<624x128xf32, #tpu.memory_space<vmem_shared>>
      tpu.enqueue_dma source(%dma_start3A_76 : memref<624x128xf32, #tpu.memory_space<vmem_shared>>) target(%dma_start3A_74 : memref<624x128xf32, #tpu.memory_space<hbm>>) target_semaphore(%run_scoped3A : memref<!tpu.dma_semaphore, #tpu.memory_space<semaphore_mem>>)
      %dma_wait3A = arith.constant 0 : i32
      %dma_wait3A_77 = tpu.memref_slice %arg6[%arg0, %mul3A_0, %dma_wait3A] : memref<2x10000x128xf32, #tpu.memory_space<hbm>> -> memref<1x624x128xf32, #tpu.memory_space<hbm>>
      %dma_wait3A_78 = tpu.memref_squeeze %dma_wait3A_77 : memref<1x624x128xf32, #tpu.memory_space<hbm>> -> memref<624x128xf32, #tpu.memory_space<hbm>>
      %dma_wait3A_79 = arith.constant 0 : i32
      %dma_wait3A_80 = tpu.memref_slice %arg8[%mul3A_0, %dma_wait3A_79] : memref<10000x128xf32, #tpu.memory_space<vmem_shared>> -> memref<624x128xf32, #tpu.memory_space<vmem_shared>>
      tpu.wait_dma2 semaphore(%run_scoped3A : memref<!tpu.dma_semaphore, #tpu.memory_space<semaphore_mem>>) src(%dma_wait3A_80 : memref<624x128xf32, #tpu.memory_space<vmem_shared>>) dst(%dma_wait3A_78 : memref<624x128xf32, #tpu.memory_space<hbm>>)
      tpu.yield
    }) : () -> ()
    %eq3A_49 = arith.constant 15 : i32
    %eq3A_50 = arith.cmpi eq, %arg1, %eq3A_49 : i32
    %convert_element_type3A_51 = arith.extui %eq3A_50 : i1 to i32
    %cond3A_52 = arith.constant 0 : i32
    %cond3A_53 = arith.cmpi ne, %convert_element_type3A_51, %cond3A_52 : i32
    scf.if %cond3A_53 {
      "tpu.region"() ({
        %run_scoped3A = tpu.sem_alloc : memref<!tpu.dma_semaphore, #tpu.memory_space<semaphore_mem>>
        %dma_start3A = arith.constant 9984 : i32
        %dma_start3A_73 = arith.constant 0 : i32
        %dma_start3A_74 = tpu.memref_slice %arg6[%arg0, %dma_start3A, %dma_start3A_73] : memref<2x10000x128xf32, #tpu.memory_space<hbm>> -> memref<1x16x128xf32, #tpu.memory_space<hbm>>
        %dma_start3A_75 = tpu.memref_squeeze %dma_start3A_74 : memref<1x16x128xf32, #tpu.memory_space<hbm>> -> memref<16x128xf32, #tpu.memory_space<hbm>>
        %dma_start3A_76 = arith.constant 9984 : i32
        %dma_start3A_77 = arith.constant 0 : i32
        %dma_start3A_78 = tpu.memref_slice %arg8[%dma_start3A_76, %dma_start3A_77] : memref<10000x128xf32, #tpu.memory_space<vmem_shared>> -> memref<16x128xf32, #tpu.memory_space<vmem_shared>>
        tpu.enqueue_dma source(%dma_start3A_78 : memref<16x128xf32, #tpu.memory_space<vmem_shared>>) target(%dma_start3A_75 : memref<16x128xf32, #tpu.memory_space<hbm>>) target_semaphore(%run_scoped3A : memref<!tpu.dma_semaphore, #tpu.memory_space<semaphore_mem>>)
        %dma_wait3A = arith.constant 9984 : i32
        %dma_wait3A_79 = arith.constant 0 : i32
        %dma_wait3A_80 = tpu.memref_slice %arg6[%arg0, %dma_wait3A, %dma_wait3A_79] : memref<2x10000x128xf32, #tpu.memory_space<hbm>> -> memref<1x16x128xf32, #tpu.memory_space<hbm>>
        %dma_wait3A_81 = tpu.memref_squeeze %dma_wait3A_80 : memref<1x16x128xf32, #tpu.memory_space<hbm>> -> memref<16x128xf32, #tpu.memory_space<hbm>>
        %dma_wait3A_82 = arith.constant 9984 : i32
        %dma_wait3A_83 = arith.constant 0 : i32
        %dma_wait3A_84 = tpu.memref_slice %arg8[%dma_wait3A_82, %dma_wait3A_83] : memref<10000x128xf32, #tpu.memory_space<vmem_shared>> -> memref<16x128xf32, #tpu.memory_space<vmem_shared>>
        tpu.wait_dma2 semaphore(%run_scoped3A : memref<!tpu.dma_semaphore, #tpu.memory_space<semaphore_mem>>) src(%dma_wait3A_84 : memref<16x128xf32, #tpu.memory_space<vmem_shared>>) dst(%dma_wait3A_81 : memref<16x128xf32, #tpu.memory_space<hbm>>)
        tpu.yield
      }) : () -> ()
    } else {
    }
    %barrier3A_54 = arith.constant 0 : index
    tpu.barrier barrier_id(%barrier3A_54)
    %scan3A_55 = arith.constant 0 : i32
    %scan3A_56 = arith.constant 5 : i32
    %scan3A_57 = arith.addi %scan3A_55, %scan3A_56 : i32
    %scan3A_58 = arith.constant 1 : i32
    scf.for %scan3A_73 = %scan3A_55 to %scan3A_57 step %scan3A_58  : i32 {
      %mul3A_74 = arith.constant 3 : i32
      %mul3A_75 = arith.muli %scan3A_73, %mul3A_74 : i32
      %add3A_76 = arith.constant 0 : i32
      %add3A_77 = arith.addi %mul3A_75, %add3A_76 : i32
      %mul3A_78 = arith.constant 16 : i32
      %mul3A_79 = arith.muli %add3A_77, %mul3A_78 : i32
      %add3A_80 = arith.addi %mul3A_79, %arg1 : i32
      %lt3A_81 = arith.constant 156 : i32
      %lt3A_82 = arith.cmpi slt, %add3A_80, %lt3A_81 : i32
      %convert_element_type3A_83 = arith.extui %lt3A_82 : i1 to i32
      %cond3A_84 = arith.constant 0 : i32
      %cond3A_85 = arith.cmpi ne, %convert_element_type3A_83, %cond3A_84 : i32
      scf.if %cond3A_85 {
        %dma_wait3A = arith.constant 0 : i32
        %dma_wait3A_201 = arith.constant 0 : i32
        %dma_wait3A_202 = tpu.memref_slice %arg12[%dma_wait3A, %dma_wait3A_201] : memref<3x128xi32, #tpu.memory_space<vmem>> -> memref<1x128xi32, #tpu.memory_space<vmem>>
        %dma_wait3A_203 = tpu.memref_squeeze %dma_wait3A_202 : memref<1x128xi32, #tpu.memory_space<vmem>> -> memref<128xi32, #tpu.memory_space<vmem>>
        %dma_wait3A_204 = arith.constant 0 : i32
        %dma_wait3A_205 = tpu.memref_slice %arg5[%dma_wait3A_204] : memref<40000xi32, #tpu.memory_space<hbm>> -> memref<128xi32, #tpu.memory_space<hbm>>
        %dma_wait3A_206 = arith.constant 0 : i32
        %dma_wait3A_207 = tpu.memref_slice %arg12[%dma_wait3A, %dma_wait3A_206] : memref<3x128xi32, #tpu.memory_space<vmem>> -> memref<1x128xi32, #tpu.memory_space<vmem>>
        %dma_wait3A_208 = tpu.memref_squeeze %dma_wait3A_207 : memref<1x128xi32, #tpu.memory_space<vmem>> -> memref<128xi32, #tpu.memory_space<vmem>>
        %dma_wait3A_209 = arith.constant 0 : i32
        %dma_wait3A_210 = tpu.memref_slice %arg5[%dma_wait3A_209] : memref<40000xi32, #tpu.memory_space<hbm>> -> memref<128xi32, #tpu.memory_space<hbm>>
        tpu.wait_dma2 semaphore(%arg13 : memref<!tpu.dma_semaphore, #tpu.memory_space<semaphore_mem>>) src(%dma_wait3A_210 : memref<128xi32, #tpu.memory_space<hbm>>) dst(%dma_wait3A_208 : memref<128xi32, #tpu.memory_space<vmem>>)
        %dma_wait3A_211 = arith.constant 0 : i32
        %dma_wait3A_212 = arith.constant 0 : i32
        %dma_wait3A_213 = tpu.memref_slice %arg4[%dma_wait3A_211, %dma_wait3A_212] : memref<40000x128xf32, #tpu.memory_space<hbm>> -> memref<128x128xf32, #tpu.memory_space<hbm>>
        %dma_wait3A_214 = arith.constant 0 : i32
        %dma_wait3A_215 = arith.constant 0 : i32
        %dma_wait3A_216 = tpu.memref_slice %arg4[%dma_wait3A_214, %dma_wait3A_215] : memref<40000x128xf32, #tpu.memory_space<hbm>> -> memref<128x128xf32, #tpu.memory_space<hbm>>
        tpu.wait_dma2 semaphore(%arg13 : memref<!tpu.dma_semaphore, #tpu.memory_space<semaphore_mem>>) src(%dma_wait3A_216 : memref<128x128xf32, #tpu.memory_space<hbm>>) dst(%arg9 : memref<128x128xf32, #tpu.memory_space<vmem>>)
      } else {
      }
      %mul3A_86 = arith.constant 16 : i32
      %mul3A_87 = arith.muli %add3A_77, %mul3A_86 : i32
      %add3A_88 = arith.addi %mul3A_87, %arg1 : i32
      %lt3A_89 = arith.constant 156 : i32
      %lt3A_90 = arith.cmpi slt, %add3A_88, %lt3A_89 : i32
      %convert_element_type3A_91 = arith.extui %lt3A_90 : i1 to i32
      %cond3A_92 = arith.constant 0 : i32
      %cond3A_93 = arith.cmpi ne, %convert_element_type3A_91, %cond3A_92 : i32
      scf.if %cond3A_93 {
        %dma_start3A = arith.constant 0 : i32
        %dma_start3A_201 = arith.constant 0 : i32
        %dma_start3A_202 = tpu.memref_slice %arg12[%dma_start3A, %dma_start3A_201] : memref<3x128xi32, #tpu.memory_space<vmem>> -> memref<1x128xi32, #tpu.memory_space<vmem>>
        %dma_start3A_203 = tpu.memref_squeeze %dma_start3A_202 : memref<1x128xi32, #tpu.memory_space<vmem>> -> memref<128xi32, #tpu.memory_space<vmem>>
        %dma_start3A_204 = arith.constant 0 : i32
        %dma_start3A_205 = arith.constant 0 : i32
        %dma_start3A_206 = tpu.memref_slice %arg8[%dma_start3A_204, %dma_start3A_205] : memref<10000x128xf32, #tpu.memory_space<vmem_shared>> -> memref<10000x128xf32, #tpu.memory_space<vmem_shared>>
        tpu.enqueue_indirect_dma source(%arg9 : memref<128x128xf32, #tpu.memory_space<vmem>>) target(%dma_start3A_206 : memref<10000x128xf32, #tpu.memory_space<vmem_shared>>) offsets(%dma_start3A_203 : memref<128xi32, #tpu.memory_space<vmem>>) semaphore(%arg16 : memref<!tpu.dma_semaphore, #tpu.memory_space<semaphore_mem>>) {add = true}
      } else {
      }
      %sub3A = arith.constant 1 : i32
      %sub3A_94 = arith.subi %add3A_77, %sub3A : i32
      %ge3A = arith.constant 0 : i32
      %ge3A_95 = arith.cmpi sge, %sub3A_94, %ge3A : i32
      %mul3A_96 = arith.constant 16 : i32
      %mul3A_97 = arith.muli %sub3A_94, %mul3A_96 : i32
      %add3A_98 = arith.addi %mul3A_97, %arg1 : i32
      %lt3A_99 = arith.constant 156 : i32
      %lt3A_100 = arith.cmpi slt, %add3A_98, %lt3A_99 : i32
      %and3A_101 = arith.andi %ge3A_95, %lt3A_100 : i1
      %convert_element_type3A_102 = arith.extui %and3A_101 : i1 to i32
      %cond3A_103 = arith.constant 0 : i32
      %cond3A_104 = arith.cmpi ne, %convert_element_type3A_102, %cond3A_103 : i32
      scf.if %cond3A_104 {
        %dma_wait3A = arith.constant 2 : i32
        %dma_wait3A_201 = arith.constant 0 : i32
        %dma_wait3A_202 = tpu.memref_slice %arg12[%dma_wait3A, %dma_wait3A_201] : memref<3x128xi32, #tpu.memory_space<vmem>> -> memref<1x128xi32, #tpu.memory_space<vmem>>
        %dma_wait3A_203 = tpu.memref_squeeze %dma_wait3A_202 : memref<1x128xi32, #tpu.memory_space<vmem>> -> memref<128xi32, #tpu.memory_space<vmem>>
        %dma_wait3A_204 = arith.constant 0 : i32
        %dma_wait3A_205 = arith.constant 0 : i32
        %dma_wait3A_206 = tpu.memref_slice %arg8[%dma_wait3A_204, %dma_wait3A_205] : memref<10000x128xf32, #tpu.memory_space<vmem_shared>> -> memref<10000x128xf32, #tpu.memory_space<vmem_shared>>
        tpu.wait_indirect_dma semaphore(%arg18 : memref<!tpu.dma_semaphore, #tpu.memory_space<semaphore_mem>>) src(%arg11 : memref<128x128xf32, #tpu.memory_space<vmem>>) dst(%dma_wait3A_206 : memref<10000x128xf32, #tpu.memory_space<vmem_shared>>)
      } else {
      }
      %add3A_105 = arith.constant 2 : i32
      %add3A_106 = arith.addi %add3A_77, %add3A_105 : i32
      %mul3A_107 = arith.constant 16 : i32
      %mul3A_108 = arith.muli %add3A_106, %mul3A_107 : i32
      %add3A_109 = arith.addi %mul3A_108, %arg1 : i32
      %lt3A_110 = arith.constant 156 : i32
      %lt3A_111 = arith.cmpi slt, %add3A_109, %lt3A_110 : i32
      %convert_element_type3A_112 = arith.extui %lt3A_111 : i1 to i32
      %cond3A_113 = arith.constant 0 : i32
      %cond3A_114 = arith.cmpi ne, %convert_element_type3A_112, %cond3A_113 : i32
      scf.if %cond3A_114 {
        %mul3A_201 = arith.constant 156 : i32
        %mul3A_202 = arith.muli %arg0, %mul3A_201 : i32
        %mul3A_203 = arith.constant 16 : i32
        %mul3A_204 = arith.muli %add3A_106, %mul3A_203 : i32
        %add3A_205 = arith.addi %mul3A_202, %mul3A_204 : i32
        %add3A_206 = arith.addi %add3A_205, %arg1 : i32
        %mul3A_207 = arith.constant 128 : i32
        %mul3A_208 = arith.muli %add3A_206, %mul3A_207 : i32
        %dma_start3A = arith.constant 2 : i32
        %dma_start3A_209 = arith.constant 0 : i32
        %dma_start3A_210 = tpu.memref_slice %arg12[%dma_start3A, %dma_start3A_209] : memref<3x128xi32, #tpu.memory_space<vmem>> -> memref<1x128xi32, #tpu.memory_space<vmem>>
        %dma_start3A_211 = tpu.memref_squeeze %dma_start3A_210 : memref<1x128xi32, #tpu.memory_space<vmem>> -> memref<128xi32, #tpu.memory_space<vmem>>
        %dma_start3A_212 = tpu.memref_slice %arg5[%mul3A_208] : memref<40000xi32, #tpu.memory_space<hbm>> -> memref<128xi32, #tpu.memory_space<hbm>>
        %dma_start3A_213 = arith.constant 0 : i32
        %dma_start3A_214 = tpu.memref_slice %arg12[%dma_start3A, %dma_start3A_213] : memref<3x128xi32, #tpu.memory_space<vmem>> -> memref<1x128xi32, #tpu.memory_space<vmem>>
        %dma_start3A_215 = tpu.memref_squeeze %dma_start3A_214 : memref<1x128xi32, #tpu.memory_space<vmem>> -> memref<128xi32, #tpu.memory_space<vmem>>
        %dma_start3A_216 = tpu.memref_slice %arg5[%mul3A_208] : memref<40000xi32, #tpu.memory_space<hbm>> -> memref<128xi32, #tpu.memory_space<hbm>>
        tpu.enqueue_dma source(%dma_start3A_216 : memref<128xi32, #tpu.memory_space<hbm>>) target(%dma_start3A_215 : memref<128xi32, #tpu.memory_space<vmem>>) target_semaphore(%arg15 : memref<!tpu.dma_semaphore, #tpu.memory_space<semaphore_mem>>)
        %mul3A_217 = arith.constant 128 : i32
        %mul3A_218 = arith.muli %add3A_206, %mul3A_217 : i32
        %dma_start3A_219 = arith.constant 0 : i32
        %dma_start3A_220 = tpu.memref_slice %arg4[%mul3A_218, %dma_start3A_219] : memref<40000x128xf32, #tpu.memory_space<hbm>> -> memref<128x128xf32, #tpu.memory_space<hbm>>
        %dma_start3A_221 = arith.constant 0 : i32
        %dma_start3A_222 = tpu.memref_slice %arg4[%mul3A_218, %dma_start3A_221] : memref<40000x128xf32, #tpu.memory_space<hbm>> -> memref<128x128xf32, #tpu.memory_space<hbm>>
        tpu.enqueue_dma source(%dma_start3A_222 : memref<128x128xf32, #tpu.memory_space<hbm>>) target(%arg11 : memref<128x128xf32, #tpu.memory_space<vmem>>) target_semaphore(%arg15 : memref<!tpu.dma_semaphore, #tpu.memory_space<semaphore_mem>>)
      } else {
      }
      %mul3A_115 = arith.constant 3 : i32
      %mul3A_116 = arith.muli %scan3A_73, %mul3A_115 : i32
      %add3A_117 = arith.constant 1 : i32
      %add3A_118 = arith.addi %mul3A_116, %add3A_117 : i32
      %mul3A_119 = arith.constant 16 : i32
      %mul3A_120 = arith.muli %add3A_118, %mul3A_119 : i32
      %add3A_121 = arith.addi %mul3A_120, %arg1 : i32
      %lt3A_122 = arith.constant 156 : i32
      %lt3A_123 = arith.cmpi slt, %add3A_121, %lt3A_122 : i32
      %convert_element_type3A_124 = arith.extui %lt3A_123 : i1 to i32
      %cond3A_125 = arith.constant 0 : i32
      %cond3A_126 = arith.cmpi ne, %convert_element_type3A_124, %cond3A_125 : i32
      scf.if %cond3A_126 {
        %dma_wait3A = arith.constant 1 : i32
        %dma_wait3A_201 = arith.constant 0 : i32
        %dma_wait3A_202 = tpu.memref_slice %arg12[%dma_wait3A, %dma_wait3A_201] : memref<3x128xi32, #tpu.memory_space<vmem>> -> memref<1x128xi32, #tpu.memory_space<vmem>>
        %dma_wait3A_203 = tpu.memref_squeeze %dma_wait3A_202 : memref<1x128xi32, #tpu.memory_space<vmem>> -> memref<128xi32, #tpu.memory_space<vmem>>
        %dma_wait3A_204 = arith.constant 0 : i32
        %dma_wait3A_205 = tpu.memref_slice %arg5[%dma_wait3A_204] : memref<40000xi32, #tpu.memory_space<hbm>> -> memref<128xi32, #tpu.memory_space<hbm>>
        %dma_wait3A_206 = arith.constant 0 : i32
        %dma_wait3A_207 = tpu.memref_slice %arg12[%dma_wait3A, %dma_wait3A_206] : memref<3x128xi32, #tpu.memory_space<vmem>> -> memref<1x128xi32, #tpu.memory_space<vmem>>
        %dma_wait3A_208 = tpu.memref_squeeze %dma_wait3A_207 : memref<1x128xi32, #tpu.memory_space<vmem>> -> memref<128xi32, #tpu.memory_space<vmem>>
        %dma_wait3A_209 = arith.constant 0 : i32
        %dma_wait3A_210 = tpu.memref_slice %arg5[%dma_wait3A_209] : memref<40000xi32, #tpu.memory_space<hbm>> -> memref<128xi32, #tpu.memory_space<hbm>>
        tpu.wait_dma2 semaphore(%arg14 : memref<!tpu.dma_semaphore, #tpu.memory_space<semaphore_mem>>) src(%dma_wait3A_210 : memref<128xi32, #tpu.memory_space<hbm>>) dst(%dma_wait3A_208 : memref<128xi32, #tpu.memory_space<vmem>>)
        %dma_wait3A_211 = arith.constant 0 : i32
        %dma_wait3A_212 = arith.constant 0 : i32
        %dma_wait3A_213 = tpu.memref_slice %arg4[%dma_wait3A_211, %dma_wait3A_212] : memref<40000x128xf32, #tpu.memory_space<hbm>> -> memref<128x128xf32, #tpu.memory_space<hbm>>
        %dma_wait3A_214 = arith.constant 0 : i32
        %dma_wait3A_215 = arith.constant 0 : i32
        %dma_wait3A_216 = tpu.memref_slice %arg4[%dma_wait3A_214, %dma_wait3A_215] : memref<40000x128xf32, #tpu.memory_space<hbm>> -> memref<128x128xf32, #tpu.memory_space<hbm>>
        tpu.wait_dma2 semaphore(%arg14 : memref<!tpu.dma_semaphore, #tpu.memory_space<semaphore_mem>>) src(%dma_wait3A_216 : memref<128x128xf32, #tpu.memory_space<hbm>>) dst(%arg10 : memref<128x128xf32, #tpu.memory_space<vmem>>)
      } else {
      }
      %mul3A_127 = arith.constant 16 : i32
      %mul3A_128 = arith.muli %add3A_118, %mul3A_127 : i32
      %add3A_129 = arith.addi %mul3A_128, %arg1 : i32
      %lt3A_130 = arith.constant 156 : i32
      %lt3A_131 = arith.cmpi slt, %add3A_129, %lt3A_130 : i32
      %convert_element_type3A_132 = arith.extui %lt3A_131 : i1 to i32
      %cond3A_133 = arith.constant 0 : i32
      %cond3A_134 = arith.cmpi ne, %convert_element_type3A_132, %cond3A_133 : i32
      scf.if %cond3A_134 {
        %dma_start3A = arith.constant 1 : i32
        %dma_start3A_201 = arith.constant 0 : i32
        %dma_start3A_202 = tpu.memref_slice %arg12[%dma_start3A, %dma_start3A_201] : memref<3x128xi32, #tpu.memory_space<vmem>> -> memref<1x128xi32, #tpu.memory_space<vmem>>
        %dma_start3A_203 = tpu.memref_squeeze %dma_start3A_202 : memref<1x128xi32, #tpu.memory_space<vmem>> -> memref<128xi32, #tpu.memory_space<vmem>>
        %dma_start3A_204 = arith.constant 0 : i32
        %dma_start3A_205 = arith.constant 0 : i32
        %dma_start3A_206 = tpu.memref_slice %arg8[%dma_start3A_204, %dma_start3A_205] : memref<10000x128xf32, #tpu.memory_space<vmem_shared>> -> memref<10000x128xf32, #tpu.memory_space<vmem_shared>>
        tpu.enqueue_indirect_dma source(%arg10 : memref<128x128xf32, #tpu.memory_space<vmem>>) target(%dma_start3A_206 : memref<10000x128xf32, #tpu.memory_space<vmem_shared>>) offsets(%dma_start3A_203 : memref<128xi32, #tpu.memory_space<vmem>>) semaphore(%arg17 : memref<!tpu.dma_semaphore, #tpu.memory_space<semaphore_mem>>) {add = true}
      } else {
      }
      %sub3A_135 = arith.constant 1 : i32
      %sub3A_136 = arith.subi %add3A_118, %sub3A_135 : i32
      %ge3A_137 = arith.constant 0 : i32
      %ge3A_138 = arith.cmpi sge, %sub3A_136, %ge3A_137 : i32
      %mul3A_139 = arith.constant 16 : i32
      %mul3A_140 = arith.muli %sub3A_136, %mul3A_139 : i32
      %add3A_141 = arith.addi %mul3A_140, %arg1 : i32
      %lt3A_142 = arith.constant 156 : i32
      %lt3A_143 = arith.cmpi slt, %add3A_141, %lt3A_142 : i32
      %and3A_144 = arith.andi %ge3A_138, %lt3A_143 : i1
      %convert_element_type3A_145 = arith.extui %and3A_144 : i1 to i32
      %cond3A_146 = arith.constant 0 : i32
      %cond3A_147 = arith.cmpi ne, %convert_element_type3A_145, %cond3A_146 : i32
      scf.if %cond3A_147 {
        %dma_wait3A = arith.constant 0 : i32
        %dma_wait3A_201 = arith.constant 0 : i32
        %dma_wait3A_202 = tpu.memref_slice %arg12[%dma_wait3A, %dma_wait3A_201] : memref<3x128xi32, #tpu.memory_space<vmem>> -> memref<1x128xi32, #tpu.memory_space<vmem>>
        %dma_wait3A_203 = tpu.memref_squeeze %dma_wait3A_202 : memref<1x128xi32, #tpu.memory_space<vmem>> -> memref<128xi32, #tpu.memory_space<vmem>>
        %dma_wait3A_204 = arith.constant 0 : i32
        %dma_wait3A_205 = arith.constant 0 : i32
        %dma_wait3A_206 = tpu.memref_slice %arg8[%dma_wait3A_204, %dma_wait3A_205] : memref<10000x128xf32, #tpu.memory_space<vmem_shared>> -> memref<10000x128xf32, #tpu.memory_space<vmem_shared>>
        tpu.wait_indirect_dma semaphore(%arg16 : memref<!tpu.dma_semaphore, #tpu.memory_space<semaphore_mem>>) src(%arg9 : memref<128x128xf32, #tpu.memory_space<vmem>>) dst(%dma_wait3A_206 : memref<10000x128xf32, #tpu.memory_space<vmem_shared>>)
      } else {
      }
      %add3A_148 = arith.constant 2 : i32
      %add3A_149 = arith.addi %add3A_118, %add3A_148 : i32
      %mul3A_150 = arith.constant 16 : i32
      %mul3A_151 = arith.muli %add3A_149, %mul3A_150 : i32
      %add3A_152 = arith.addi %mul3A_151, %arg1 : i32
      %lt3A_153 = arith.constant 156 : i32
      %lt3A_154 = arith.cmpi slt, %add3A_152, %lt3A_153 : i32
      %convert_element_type3A_155 = arith.extui %lt3A_154 : i1 to i32
      %cond3A_156 = arith.constant 0 : i32
      %cond3A_157 = arith.cmpi ne, %convert_element_type3A_155, %cond3A_156 : i32
      scf.if %cond3A_157 {
        %mul3A_201 = arith.constant 156 : i32
        %mul3A_202 = arith.muli %arg0, %mul3A_201 : i32
        %mul3A_203 = arith.constant 16 : i32
        %mul3A_204 = arith.muli %add3A_149, %mul3A_203 : i32
        %add3A_205 = arith.addi %mul3A_202, %mul3A_204 : i32
        %add3A_206 = arith.addi %add3A_205, %arg1 : i32
        %mul3A_207 = arith.constant 128 : i32
        %mul3A_208 = arith.muli %add3A_206, %mul3A_207 : i32
        %dma_start3A = arith.constant 0 : i32
        %dma_start3A_209 = arith.constant 0 : i32
        %dma_start3A_210 = tpu.memref_slice %arg12[%dma_start3A, %dma_start3A_209] : memref<3x128xi32, #tpu.memory_space<vmem>> -> memref<1x128xi32, #tpu.memory_space<vmem>>
        %dma_start3A_211 = tpu.memref_squeeze %dma_start3A_210 : memref<1x128xi32, #tpu.memory_space<vmem>> -> memref<128xi32, #tpu.memory_space<vmem>>
        %dma_start3A_212 = tpu.memref_slice %arg5[%mul3A_208] : memref<40000xi32, #tpu.memory_space<hbm>> -> memref<128xi32, #tpu.memory_space<hbm>>
        %dma_start3A_213 = arith.constant 0 : i32
        %dma_start3A_214 = tpu.memref_slice %arg12[%dma_start3A, %dma_start3A_213] : memref<3x128xi32, #tpu.memory_space<vmem>> -> memref<1x128xi32, #tpu.memory_space<vmem>>
        %dma_start3A_215 = tpu.memref_squeeze %dma_start3A_214 : memref<1x128xi32, #tpu.memory_space<vmem>> -> memref<128xi32, #tpu.memory_space<vmem>>
        %dma_start3A_216 = tpu.memref_slice %arg5[%mul3A_208] : memref<40000xi32, #tpu.memory_space<hbm>> -> memref<128xi32, #tpu.memory_space<hbm>>
        tpu.enqueue_dma source(%dma_start3A_216 : memref<128xi32, #tpu.memory_space<hbm>>) target(%dma_start3A_215 : memref<128xi32, #tpu.memory_space<vmem>>) target_semaphore(%arg13 : memref<!tpu.dma_semaphore, #tpu.memory_space<semaphore_mem>>)
        %mul3A_217 = arith.constant 128 : i32
        %mul3A_218 = arith.muli %add3A_206, %mul3A_217 : i32
        %dma_start3A_219 = arith.constant 0 : i32
        %dma_start3A_220 = tpu.memref_slice %arg4[%mul3A_218, %dma_start3A_219] : memref<40000x128xf32, #tpu.memory_space<hbm>> -> memref<128x128xf32, #tpu.memory_space<hbm>>
        %dma_start3A_221 = arith.constant 0 : i32
        %dma_start3A_222 = tpu.memref_slice %arg4[%mul3A_218, %dma_start3A_221] : memref<40000x128xf32, #tpu.memory_space<hbm>> -> memref<128x128xf32, #tpu.memory_space<hbm>>
        tpu.enqueue_dma source(%dma_start3A_222 : memref<128x128xf32, #tpu.memory_space<hbm>>) target(%arg9 : memref<128x128xf32, #tpu.memory_space<vmem>>) target_semaphore(%arg13 : memref<!tpu.dma_semaphore, #tpu.memory_space<semaphore_mem>>)
      } else {
      }
      %mul3A_158 = arith.constant 3 : i32
      %mul3A_159 = arith.muli %scan3A_73, %mul3A_158 : i32
      %add3A_160 = arith.constant 2 : i32
      %add3A_161 = arith.addi %mul3A_159, %add3A_160 : i32
      %mul3A_162 = arith.constant 16 : i32
      %mul3A_163 = arith.muli %add3A_161, %mul3A_162 : i32
      %add3A_164 = arith.addi %mul3A_163, %arg1 : i32
      %lt3A_165 = arith.constant 156 : i32
      %lt3A_166 = arith.cmpi slt, %add3A_164, %lt3A_165 : i32
      %convert_element_type3A_167 = arith.extui %lt3A_166 : i1 to i32
      %cond3A_168 = arith.constant 0 : i32
      %cond3A_169 = arith.cmpi ne, %convert_element_type3A_167, %cond3A_168 : i32
      scf.if %cond3A_169 {
        %dma_wait3A = arith.constant 2 : i32
        %dma_wait3A_201 = arith.constant 0 : i32
        %dma_wait3A_202 = tpu.memref_slice %arg12[%dma_wait3A, %dma_wait3A_201] : memref<3x128xi32, #tpu.memory_space<vmem>> -> memref<1x128xi32, #tpu.memory_space<vmem>>
        %dma_wait3A_203 = tpu.memref_squeeze %dma_wait3A_202 : memref<1x128xi32, #tpu.memory_space<vmem>> -> memref<128xi32, #tpu.memory_space<vmem>>
        %dma_wait3A_204 = arith.constant 0 : i32
        %dma_wait3A_205 = tpu.memref_slice %arg5[%dma_wait3A_204] : memref<40000xi32, #tpu.memory_space<hbm>> -> memref<128xi32, #tpu.memory_space<hbm>>
        %dma_wait3A_206 = arith.constant 0 : i32
        %dma_wait3A_207 = tpu.memref_slice %arg12[%dma_wait3A, %dma_wait3A_206] : memref<3x128xi32, #tpu.memory_space<vmem>> -> memref<1x128xi32, #tpu.memory_space<vmem>>
        %dma_wait3A_208 = tpu.memref_squeeze %dma_wait3A_207 : memref<1x128xi32, #tpu.memory_space<vmem>> -> memref<128xi32, #tpu.memory_space<vmem>>
        %dma_wait3A_209 = arith.constant 0 : i32
        %dma_wait3A_210 = tpu.memref_slice %arg5[%dma_wait3A_209] : memref<40000xi32, #tpu.memory_space<hbm>> -> memref<128xi32, #tpu.memory_space<hbm>>
        tpu.wait_dma2 semaphore(%arg15 : memref<!tpu.dma_semaphore, #tpu.memory_space<semaphore_mem>>) src(%dma_wait3A_210 : memref<128xi32, #tpu.memory_space<hbm>>) dst(%dma_wait3A_208 : memref<128xi32, #tpu.memory_space<vmem>>)
        %dma_wait3A_211 = arith.constant 0 : i32
        %dma_wait3A_212 = arith.constant 0 : i32
        %dma_wait3A_213 = tpu.memref_slice %arg4[%dma_wait3A_211, %dma_wait3A_212] : memref<40000x128xf32, #tpu.memory_space<hbm>> -> memref<128x128xf32, #tpu.memory_space<hbm>>
        %dma_wait3A_214 = arith.constant 0 : i32
        %dma_wait3A_215 = arith.constant 0 : i32
        %dma_wait3A_216 = tpu.memref_slice %arg4[%dma_wait3A_214, %dma_wait3A_215] : memref<40000x128xf32, #tpu.memory_space<hbm>> -> memref<128x128xf32, #tpu.memory_space<hbm>>
        tpu.wait_dma2 semaphore(%arg15 : memref<!tpu.dma_semaphore, #tpu.memory_space<semaphore_mem>>) src(%dma_wait3A_216 : memref<128x128xf32, #tpu.memory_space<hbm>>) dst(%arg11 : memref<128x128xf32, #tpu.memory_space<vmem>>)
      } else {
      }
      %mul3A_170 = arith.constant 16 : i32
      %mul3A_171 = arith.muli %add3A_161, %mul3A_170 : i32
      %add3A_172 = arith.addi %mul3A_171, %arg1 : i32
      %lt3A_173 = arith.constant 156 : i32
      %lt3A_174 = arith.cmpi slt, %add3A_172, %lt3A_173 : i32
      %convert_element_type3A_175 = arith.extui %lt3A_174 : i1 to i32
      %cond3A_176 = arith.constant 0 : i32
      %cond3A_177 = arith.cmpi ne, %convert_element_type3A_175, %cond3A_176 : i32
      scf.if %cond3A_177 {
        %dma_start3A = arith.constant 2 : i32
        %dma_start3A_201 = arith.constant 0 : i32
        %dma_start3A_202 = tpu.memref_slice %arg12[%dma_start3A, %dma_start3A_201] : memref<3x128xi32, #tpu.memory_space<vmem>> -> memref<1x128xi32, #tpu.memory_space<vmem>>
        %dma_start3A_203 = tpu.memref_squeeze %dma_start3A_202 : memref<1x128xi32, #tpu.memory_space<vmem>> -> memref<128xi32, #tpu.memory_space<vmem>>
        %dma_start3A_204 = arith.constant 0 : i32
        %dma_start3A_205 = arith.constant 0 : i32
        %dma_start3A_206 = tpu.memref_slice %arg8[%dma_start3A_204, %dma_start3A_205] : memref<10000x128xf32, #tpu.memory_space<vmem_shared>> -> memref<10000x128xf32, #tpu.memory_space<vmem_shared>>
        tpu.enqueue_indirect_dma source(%arg11 : memref<128x128xf32, #tpu.memory_space<vmem>>) target(%dma_start3A_206 : memref<10000x128xf32, #tpu.memory_space<vmem_shared>>) offsets(%dma_start3A_203 : memref<128xi32, #tpu.memory_space<vmem>>) semaphore(%arg18 : memref<!tpu.dma_semaphore, #tpu.memory_space<semaphore_mem>>) {add = true}
      } else {
      }
      %sub3A_178 = arith.constant 1 : i32
      %sub3A_179 = arith.subi %add3A_161, %sub3A_178 : i32
      %ge3A_180 = arith.constant 0 : i32
      %ge3A_181 = arith.cmpi sge, %sub3A_179, %ge3A_180 : i32
      %mul3A_182 = arith.constant 16 : i32
      %mul3A_183 = arith.muli %sub3A_179, %mul3A_182 : i32
      %add3A_184 = arith.addi %mul3A_183, %arg1 : i32
      %lt3A_185 = arith.constant 156 : i32
      %lt3A_186 = arith.cmpi slt, %add3A_184, %lt3A_185 : i32
      %and3A_187 = arith.andi %ge3A_181, %lt3A_186 : i1
      %convert_element_type3A_188 = arith.extui %and3A_187 : i1 to i32
      %cond3A_189 = arith.constant 0 : i32
      %cond3A_190 = arith.cmpi ne, %convert_element_type3A_188, %cond3A_189 : i32
      scf.if %cond3A_190 {
        %dma_wait3A = arith.constant 1 : i32
        %dma_wait3A_201 = arith.constant 0 : i32
        %dma_wait3A_202 = tpu.memref_slice %arg12[%dma_wait3A, %dma_wait3A_201] : memref<3x128xi32, #tpu.memory_space<vmem>> -> memref<1x128xi32, #tpu.memory_space<vmem>>
        %dma_wait3A_203 = tpu.memref_squeeze %dma_wait3A_202 : memref<1x128xi32, #tpu.memory_space<vmem>> -> memref<128xi32, #tpu.memory_space<vmem>>
        %dma_wait3A_204 = arith.constant 0 : i32
        %dma_wait3A_205 = arith.constant 0 : i32
        %dma_wait3A_206 = tpu.memref_slice %arg8[%dma_wait3A_204, %dma_wait3A_205] : memref<10000x128xf32, #tpu.memory_space<vmem_shared>> -> memref<10000x128xf32, #tpu.memory_space<vmem_shared>>
        tpu.wait_indirect_dma semaphore(%arg17 : memref<!tpu.dma_semaphore, #tpu.memory_space<semaphore_mem>>) src(%arg10 : memref<128x128xf32, #tpu.memory_space<vmem>>) dst(%dma_wait3A_206 : memref<10000x128xf32, #tpu.memory_space<vmem_shared>>)
      } else {
      }
      %add3A_191 = arith.constant 2 : i32
      %add3A_192 = arith.addi %add3A_161, %add3A_191 : i32
      %mul3A_193 = arith.constant 16 : i32
      %mul3A_194 = arith.muli %add3A_192, %mul3A_193 : i32
      %add3A_195 = arith.addi %mul3A_194, %arg1 : i32
      %lt3A_196 = arith.constant 156 : i32
      %lt3A_197 = arith.cmpi slt, %add3A_195, %lt3A_196 : i32
      %convert_element_type3A_198 = arith.extui %lt3A_197 : i1 to i32
      %cond3A_199 = arith.constant 0 : i32
      %cond3A_200 = arith.cmpi ne, %convert_element_type3A_198, %cond3A_199 : i32
      scf.if %cond3A_200 {
        %mul3A_201 = arith.constant 156 : i32
        %mul3A_202 = arith.muli %arg0, %mul3A_201 : i32
        %mul3A_203 = arith.constant 16 : i32
        %mul3A_204 = arith.muli %add3A_192, %mul3A_203 : i32
        %add3A_205 = arith.addi %mul3A_202, %mul3A_204 : i32
        %add3A_206 = arith.addi %add3A_205, %arg1 : i32
        %mul3A_207 = arith.constant 128 : i32
        %mul3A_208 = arith.muli %add3A_206, %mul3A_207 : i32
        %dma_start3A = arith.constant 1 : i32
        %dma_start3A_209 = arith.constant 0 : i32
        %dma_start3A_210 = tpu.memref_slice %arg12[%dma_start3A, %dma_start3A_209] : memref<3x128xi32, #tpu.memory_space<vmem>> -> memref<1x128xi32, #tpu.memory_space<vmem>>
        %dma_start3A_211 = tpu.memref_squeeze %dma_start3A_210 : memref<1x128xi32, #tpu.memory_space<vmem>> -> memref<128xi32, #tpu.memory_space<vmem>>
        %dma_start3A_212 = tpu.memref_slice %arg5[%mul3A_208] : memref<40000xi32, #tpu.memory_space<hbm>> -> memref<128xi32, #tpu.memory_space<hbm>>
        %dma_start3A_213 = arith.constant 0 : i32
        %dma_start3A_214 = tpu.memref_slice %arg12[%dma_start3A, %dma_start3A_213] : memref<3x128xi32, #tpu.memory_space<vmem>> -> memref<1x128xi32, #tpu.memory_space<vmem>>
        %dma_start3A_215 = tpu.memref_squeeze %dma_start3A_214 : memref<1x128xi32, #tpu.memory_space<vmem>> -> memref<128xi32, #tpu.memory_space<vmem>>
        %dma_start3A_216 = tpu.memref_slice %arg5[%mul3A_208] : memref<40000xi32, #tpu.memory_space<hbm>> -> memref<128xi32, #tpu.memory_space<hbm>>
        tpu.enqueue_dma source(%dma_start3A_216 : memref<128xi32, #tpu.memory_space<hbm>>) target(%dma_start3A_215 : memref<128xi32, #tpu.memory_space<vmem>>) target_semaphore(%arg14 : memref<!tpu.dma_semaphore, #tpu.memory_space<semaphore_mem>>)
        %mul3A_217 = arith.constant 128 : i32
        %mul3A_218 = arith.muli %add3A_206, %mul3A_217 : i32
        %dma_start3A_219 = arith.constant 0 : i32
        %dma_start3A_220 = tpu.memref_slice %arg4[%mul3A_218, %dma_start3A_219] : memref<40000x128xf32, #tpu.memory_space<hbm>> -> memref<128x128xf32, #tpu.memory_space<hbm>>
        %dma_start3A_221 = arith.constant 0 : i32
        %dma_start3A_222 = tpu.memref_slice %arg4[%mul3A_218, %dma_start3A_221] : memref<40000x128xf32, #tpu.memory_space<hbm>> -> memref<128x128xf32, #tpu.memory_space<hbm>>
        tpu.enqueue_dma source(%dma_start3A_222 : memref<128x128xf32, #tpu.memory_space<hbm>>) target(%arg10 : memref<128x128xf32, #tpu.memory_space<vmem>>) target_semaphore(%arg14 : memref<!tpu.dma_semaphore, #tpu.memory_space<semaphore_mem>>)
      } else {
      }
    }
    %scan3A_59 = arith.constant 5 : i32
    %eq3A_60 = arith.constant 0 : i32
    %eq3A_61 = arith.cmpi eq, %arg0, %eq3A_60 : i32
    %eq3A_62 = arith.constant 0 : i32
    %eq3A_63 = arith.cmpi eq, %arg1, %eq3A_62 : i32
    %and3A = arith.andi %eq3A_61, %eq3A_63 : i1
    %convert_element_type3A_64 = arith.extui %and3A : i1 to i32
    %cond3A_65 = arith.constant 0 : i32
    %cond3A_66 = arith.cmpi ne, %convert_element_type3A_64, %cond3A_65 : i32
    scf.if %cond3A_66 {
      %broadcast_in_dim3A = arith.constant 0 : i32
      %broadcast_in_dim3A_73 = vector.broadcast %broadcast_in_dim3A : i32 to vector<16xi32>
      %swap3A = arith.constant 0 : i32
      %swap3A_74 = arith.index_cast %swap3A : i32 to index
      %swap3A_75 = arith.constant 64 : index
      %swap3A_76 = tpu.vector_load %arg12[%swap3A_74, %swap3A_75] {strides = array<i32>} : memref<3x128xi32, #tpu.memory_space<vmem>>, vector<1x16xi32>,
      %swap3A_77 = vector.shape_cast %swap3A_76 : vector<1x16xi32> to vector<16xi32>
      %swap3A_78 = vector.shape_cast %broadcast_in_dim3A_73 : vector<16xi32> to vector<1x16xi32>
      tpu.vector_store %arg12[%swap3A_74, %swap3A_75], %swap3A_78 {strides = array<i32>} : memref<3x128xi32, #tpu.memory_space<vmem>>, vector<1x16xi32>,
      %broadcast_in_dim3A_79 = arith.constant 0 : i32
      %broadcast_in_dim3A_80 = vector.broadcast %broadcast_in_dim3A_79 : i32 to vector<16xi32>
      %swap3A_81 = arith.constant 0 : i32
      %swap3A_82 = arith.index_cast %swap3A_81 : i32 to index
      %swap3A_83 = arith.constant 80 : index
      %swap3A_84 = tpu.vector_load %arg12[%swap3A_82, %swap3A_83] {strides = array<i32>} : memref<3x128xi32, #tpu.memory_space<vmem>>, vector<1x16xi32>,
      %swap3A_85 = vector.shape_cast %swap3A_84 : vector<1x16xi32> to vector<16xi32>
      %swap3A_86 = vector.shape_cast %broadcast_in_dim3A_80 : vector<16xi32> to vector<1x16xi32>
      tpu.vector_store %arg12[%swap3A_82, %swap3A_83], %swap3A_86 {strides = array<i32>} : memref<3x128xi32, #tpu.memory_space<vmem>>, vector<1x16xi32>,
      %broadcast_in_dim3A_87 = arith.constant 0 : i32
      %broadcast_in_dim3A_88 = vector.broadcast %broadcast_in_dim3A_87 : i32 to vector<16xi32>
      %swap3A_89 = arith.constant 0 : i32
      %swap3A_90 = arith.index_cast %swap3A_89 : i32 to index
      %swap3A_91 = arith.constant 96 : index
      %swap3A_92 = tpu.vector_load %arg12[%swap3A_90, %swap3A_91] {strides = array<i32>} : memref<3x128xi32, #tpu.memory_space<vmem>>, vector<1x16xi32>,
      %swap3A_93 = vector.shape_cast %swap3A_92 : vector<1x16xi32> to vector<16xi32>
      %swap3A_94 = vector.shape_cast %broadcast_in_dim3A_88 : vector<16xi32> to vector<1x16xi32>
      tpu.vector_store %arg12[%swap3A_90, %swap3A_91], %swap3A_94 {strides = array<i32>} : memref<3x128xi32, #tpu.memory_space<vmem>>, vector<1x16xi32>,
      %broadcast_in_dim3A_95 = arith.constant 0 : i32
      %broadcast_in_dim3A_96 = vector.broadcast %broadcast_in_dim3A_95 : i32 to vector<16xi32>
      %swap3A_97 = arith.constant 0 : i32
      %swap3A_98 = arith.index_cast %swap3A_97 : i32 to index
      %swap3A_99 = arith.constant 112 : index
      %swap3A_100 = tpu.vector_load %arg12[%swap3A_98, %swap3A_99] {strides = array<i32>} : memref<3x128xi32, #tpu.memory_space<vmem>>, vector<1x16xi32>,
      %swap3A_101 = vector.shape_cast %swap3A_100 : vector<1x16xi32> to vector<16xi32>
      %swap3A_102 = vector.shape_cast %broadcast_in_dim3A_96 : vector<16xi32> to vector<1x16xi32>
      tpu.vector_store %arg12[%swap3A_98, %swap3A_99], %swap3A_102 {strides = array<i32>} : memref<3x128xi32, #tpu.memory_space<vmem>>, vector<1x16xi32>,
      %run_scoped3A = arith.constant 0 : i32
      "tpu.region"() ({
        %run_scoped3A_109 = tpu.sem_alloc : memref<!tpu.dma_semaphore, #tpu.memory_space<semaphore_mem>>
        %dma_start3A = arith.constant 0 : i32
        %dma_start3A_110 = tpu.memref_slice %arg12[%run_scoped3A, %dma_start3A] : memref<3x128xi32, #tpu.memory_space<vmem>> -> memref<1x64xi32, #tpu.memory_space<vmem>>
        %dma_start3A_111 = tpu.memref_squeeze %dma_start3A_110 : memref<1x64xi32, #tpu.memory_space<vmem>> -> memref<64xi32, #tpu.memory_space<vmem>>
        %dma_start3A_112 = arith.constant 39936 : i32
        %dma_start3A_113 = tpu.memref_slice %arg5[%dma_start3A_112] : memref<40000xi32, #tpu.memory_space<hbm>> -> memref<64xi32, #tpu.memory_space<hbm>>
        %dma_start3A_114 = arith.constant 0 : i32
        %dma_start3A_115 = tpu.memref_slice %arg12[%run_scoped3A, %dma_start3A_114] : memref<3x128xi32, #tpu.memory_space<vmem>> -> memref<1x64xi32, #tpu.memory_space<vmem>>
        %dma_start3A_116 = tpu.memref_squeeze %dma_start3A_115 : memref<1x64xi32, #tpu.memory_space<vmem>> -> memref<64xi32, #tpu.memory_space<vmem>>
        %dma_start3A_117 = arith.constant 39936 : i32
        %dma_start3A_118 = tpu.memref_slice %arg5[%dma_start3A_117] : memref<40000xi32, #tpu.memory_space<hbm>> -> memref<64xi32, #tpu.memory_space<hbm>>
        tpu.enqueue_dma source(%dma_start3A_118 : memref<64xi32, #tpu.memory_space<hbm>>) target(%dma_start3A_116 : memref<64xi32, #tpu.memory_space<vmem>>) target_semaphore(%run_scoped3A_109 : memref<!tpu.dma_semaphore, #tpu.memory_space<semaphore_mem>>)
        %dma_wait3A = arith.constant 0 : i32
        %dma_wait3A_119 = tpu.memref_slice %arg12[%run_scoped3A, %dma_wait3A] : memref<3x128xi32, #tpu.memory_space<vmem>> -> memref<1x64xi32, #tpu.memory_space<vmem>>
        %dma_wait3A_120 = tpu.memref_squeeze %dma_wait3A_119 : memref<1x64xi32, #tpu.memory_space<vmem>> -> memref<64xi32, #tpu.memory_space<vmem>>
        %dma_wait3A_121 = arith.constant 39936 : i32
        %dma_wait3A_122 = tpu.memref_slice %arg5[%dma_wait3A_121] : memref<40000xi32, #tpu.memory_space<hbm>> -> memref<64xi32, #tpu.memory_space<hbm>>
        %dma_wait3A_123 = arith.constant 0 : i32
        %dma_wait3A_124 = tpu.memref_slice %arg12[%run_scoped3A, %dma_wait3A_123] : memref<3x128xi32, #tpu.memory_space<vmem>> -> memref<1x64xi32, #tpu.memory_space<vmem>>
        %dma_wait3A_125 = tpu.memref_squeeze %dma_wait3A_124 : memref<1x64xi32, #tpu.memory_space<vmem>> -> memref<64xi32, #tpu.memory_space<vmem>>
        %dma_wait3A_126 = arith.constant 39936 : i32
        %dma_wait3A_127 = tpu.memref_slice %arg5[%dma_wait3A_126] : memref<40000xi32, #tpu.memory_space<hbm>> -> memref<64xi32, #tpu.memory_space<hbm>>
        tpu.wait_dma2 semaphore(%run_scoped3A_109 : memref<!tpu.dma_semaphore, #tpu.memory_space<semaphore_mem>>) src(%dma_wait3A_127 : memref<64xi32, #tpu.memory_space<hbm>>) dst(%dma_wait3A_125 : memref<64xi32, #tpu.memory_space<vmem>>)
        tpu.yield
      }) : () -> ()
      %scan3A_103 = arith.constant 0 : i32
      %scan3A_104 = arith.constant 128 : i32
      %scan3A_105 = arith.addi %scan3A_103, %scan3A_104 : i32
      %scan3A_106 = arith.constant 1 : i32
      scf.for %scan3A_109 = %scan3A_103 to %scan3A_105 step %scan3A_106  : i32 {
        %broadcast_in_dim3A_110 = arith.constant 0.000000e+00 : f32
        %broadcast_in_dim3A_111 = vector.broadcast %broadcast_in_dim3A_110 : f32 to vector<16xf32>
        %swap3A_112 = arith.index_cast %scan3A_109 : i32 to index
        %swap3A_113 = arith.constant 0 : index
        %swap3A_114 = tpu.vector_load %arg9[%swap3A_112, %swap3A_113] {strides = array<i32>} : memref<128x128xf32, #tpu.memory_space<vmem>>, vector<1x16xf32>,
        %swap3A_115 = vector.shape_cast %swap3A_114 : vector<1x16xf32> to vector<16xf32>
        %swap3A_116 = vector.shape_cast %broadcast_in_dim3A_111 : vector<16xf32> to vector<1x16xf32>
        tpu.vector_store %arg9[%swap3A_112, %swap3A_113], %swap3A_116 {strides = array<i32>} : memref<128x128xf32, #tpu.memory_space<vmem>>, vector<1x16xf32>,
        %broadcast_in_dim3A_117 = arith.constant 0.000000e+00 : f32
        %broadcast_in_dim3A_118 = vector.broadcast %broadcast_in_dim3A_117 : f32 to vector<16xf32>
        %swap3A_119 = arith.index_cast %scan3A_109 : i32 to index
        %swap3A_120 = arith.constant 16 : index
        %swap3A_121 = tpu.vector_load %arg9[%swap3A_119, %swap3A_120] {strides = array<i32>} : memref<128x128xf32, #tpu.memory_space<vmem>>, vector<1x16xf32>,
        %swap3A_122 = vector.shape_cast %swap3A_121 : vector<1x16xf32> to vector<16xf32>
        %swap3A_123 = vector.shape_cast %broadcast_in_dim3A_118 : vector<16xf32> to vector<1x16xf32>
        tpu.vector_store %arg9[%swap3A_119, %swap3A_120], %swap3A_123 {strides = array<i32>} : memref<128x128xf32, #tpu.memory_space<vmem>>, vector<1x16xf32>,
        %broadcast_in_dim3A_124 = arith.constant 0.000000e+00 : f32
        %broadcast_in_dim3A_125 = vector.broadcast %broadcast_in_dim3A_124 : f32 to vector<16xf32>
        %swap3A_126 = arith.index_cast %scan3A_109 : i32 to index
        %swap3A_127 = arith.constant 32 : index
        %swap3A_128 = tpu.vector_load %arg9[%swap3A_126, %swap3A_127] {strides = array<i32>} : memref<128x128xf32, #tpu.memory_space<vmem>>, vector<1x16xf32>,
        %swap3A_129 = vector.shape_cast %swap3A_128 : vector<1x16xf32> to vector<16xf32>
        %swap3A_130 = vector.shape_cast %broadcast_in_dim3A_125 : vector<16xf32> to vector<1x16xf32>
        tpu.vector_store %arg9[%swap3A_126, %swap3A_127], %swap3A_130 {strides = array<i32>} : memref<128x128xf32, #tpu.memory_space<vmem>>, vector<1x16xf32>,
        %broadcast_in_dim3A_131 = arith.constant 0.000000e+00 : f32
        %broadcast_in_dim3A_132 = vector.broadcast %broadcast_in_dim3A_131 : f32 to vector<16xf32>
        %swap3A_133 = arith.index_cast %scan3A_109 : i32 to index
        %swap3A_134 = arith.constant 48 : index
        %swap3A_135 = tpu.vector_load %arg9[%swap3A_133, %swap3A_134] {strides = array<i32>} : memref<128x128xf32, #tpu.memory_space<vmem>>, vector<1x16xf32>,
        %swap3A_136 = vector.shape_cast %swap3A_135 : vector<1x16xf32> to vector<16xf32>
        %swap3A_137 = vector.shape_cast %broadcast_in_dim3A_132 : vector<16xf32> to vector<1x16xf32>
        tpu.vector_store %arg9[%swap3A_133, %swap3A_134], %swap3A_137 {strides = array<i32>} : memref<128x128xf32, #tpu.memory_space<vmem>>, vector<1x16xf32>,
        %broadcast_in_dim3A_138 = arith.constant 0.000000e+00 : f32
        %broadcast_in_dim3A_139 = vector.broadcast %broadcast_in_dim3A_138 : f32 to vector<16xf32>
        %swap3A_140 = arith.index_cast %scan3A_109 : i32 to index
        %swap3A_141 = arith.constant 64 : index
        %swap3A_142 = tpu.vector_load %arg9[%swap3A_140, %swap3A_141] {strides = array<i32>} : memref<128x128xf32, #tpu.memory_space<vmem>>, vector<1x16xf32>,
        %swap3A_143 = vector.shape_cast %swap3A_142 : vector<1x16xf32> to vector<16xf32>
        %swap3A_144 = vector.shape_cast %broadcast_in_dim3A_139 : vector<16xf32> to vector<1x16xf32>
        tpu.vector_store %arg9[%swap3A_140, %swap3A_141], %swap3A_144 {strides = array<i32>} : memref<128x128xf32, #tpu.memory_space<vmem>>, vector<1x16xf32>,
        %broadcast_in_dim3A_145 = arith.constant 0.000000e+00 : f32
        %broadcast_in_dim3A_146 = vector.broadcast %broadcast_in_dim3A_145 : f32 to vector<16xf32>
        %swap3A_147 = arith.index_cast %scan3A_109 : i32 to index
        %swap3A_148 = arith.constant 80 : index
        %swap3A_149 = tpu.vector_load %arg9[%swap3A_147, %swap3A_148] {strides = array<i32>} : memref<128x128xf32, #tpu.memory_space<vmem>>, vector<1x16xf32>,
        %swap3A_150 = vector.shape_cast %swap3A_149 : vector<1x16xf32> to vector<16xf32>
        %swap3A_151 = vector.shape_cast %broadcast_in_dim3A_146 : vector<16xf32> to vector<1x16xf32>
        tpu.vector_store %arg9[%swap3A_147, %swap3A_148], %swap3A_151 {strides = array<i32>} : memref<128x128xf32, #tpu.memory_space<vmem>>, vector<1x16xf32>,
        %broadcast_in_dim3A_152 = arith.constant 0.000000e+00 : f32
        %broadcast_in_dim3A_153 = vector.broadcast %broadcast_in_dim3A_152 : f32 to vector<16xf32>
        %swap3A_154 = arith.index_cast %scan3A_109 : i32 to index
        %swap3A_155 = arith.constant 96 : index
        %swap3A_156 = tpu.vector_load %arg9[%swap3A_154, %swap3A_155] {strides = array<i32>} : memref<128x128xf32, #tpu.memory_space<vmem>>, vector<1x16xf32>,
        %swap3A_157 = vector.shape_cast %swap3A_156 : vector<1x16xf32> to vector<16xf32>
        %swap3A_158 = vector.shape_cast %broadcast_in_dim3A_153 : vector<16xf32> to vector<1x16xf32>
        tpu.vector_store %arg9[%swap3A_154, %swap3A_155], %swap3A_158 {strides = array<i32>} : memref<128x128xf32, #tpu.memory_space<vmem>>, vector<1x16xf32>,
        %broadcast_in_dim3A_159 = arith.constant 0.000000e+00 : f32
        %broadcast_in_dim3A_160 = vector.broadcast %broadcast_in_dim3A_159 : f32 to vector<16xf32>
        %swap3A_161 = arith.index_cast %scan3A_109 : i32 to index
        %swap3A_162 = arith.constant 112 : index
        %swap3A_163 = tpu.vector_load %arg9[%swap3A_161, %swap3A_162] {strides = array<i32>} : memref<128x128xf32, #tpu.memory_space<vmem>>, vector<1x16xf32>,
        %swap3A_164 = vector.shape_cast %swap3A_163 : vector<1x16xf32> to vector<16xf32>
        %swap3A_165 = vector.shape_cast %broadcast_in_dim3A_160 : vector<16xf32> to vector<1x16xf32>
        tpu.vector_store %arg9[%swap3A_161, %swap3A_162], %swap3A_165 {strides = array<i32>} : memref<128x128xf32, #tpu.memory_space<vmem>>, vector<1x16xf32>,
      }
      %scan3A_107 = arith.constant 128 : i32
      "tpu.region"() ({
        %run_scoped3A_109 = tpu.sem_alloc : memref<!tpu.dma_semaphore, #tpu.memory_space<semaphore_mem>>
        %dma_start3A = arith.constant 0 : i32
        %dma_start3A_110 = arith.constant 0 : i32
        %dma_start3A_111 = tpu.memref_slice %arg9[%dma_start3A, %dma_start3A_110] : memref<128x128xf32, #tpu.memory_space<vmem>> -> memref<64x128xf32, #tpu.memory_space<vmem>>
        %dma_start3A_112 = arith.constant 39936 : i32
        %dma_start3A_113 = arith.constant 0 : i32
        %dma_start3A_114 = tpu.memref_slice %arg4[%dma_start3A_112, %dma_start3A_113] : memref<40000x128xf32, #tpu.memory_space<hbm>> -> memref<64x128xf32, #tpu.memory_space<hbm>>
        %dma_start3A_115 = arith.constant 0 : i32
        %dma_start3A_116 = arith.constant 0 : i32
        %dma_start3A_117 = tpu.memref_slice %arg9[%dma_start3A_115, %dma_start3A_116] : memref<128x128xf32, #tpu.memory_space<vmem>> -> memref<64x128xf32, #tpu.memory_space<vmem>>
        %dma_start3A_118 = arith.constant 39936 : i32
        %dma_start3A_119 = arith.constant 0 : i32
        %dma_start3A_120 = tpu.memref_slice %arg4[%dma_start3A_118, %dma_start3A_119] : memref<40000x128xf32, #tpu.memory_space<hbm>> -> memref<64x128xf32, #tpu.memory_space<hbm>>
        tpu.enqueue_dma source(%dma_start3A_120 : memref<64x128xf32, #tpu.memory_space<hbm>>) target(%dma_start3A_117 : memref<64x128xf32, #tpu.memory_space<vmem>>) target_semaphore(%run_scoped3A_109 : memref<!tpu.dma_semaphore, #tpu.memory_space<semaphore_mem>>)
        %dma_wait3A = arith.constant 0 : i32
        %dma_wait3A_121 = arith.constant 0 : i32
        %dma_wait3A_122 = tpu.memref_slice %arg9[%dma_wait3A, %dma_wait3A_121] : memref<128x128xf32, #tpu.memory_space<vmem>> -> memref<64x128xf32, #tpu.memory_space<vmem>>
        %dma_wait3A_123 = arith.constant 39936 : i32
        %dma_wait3A_124 = arith.constant 0 : i32
        %dma_wait3A_125 = tpu.memref_slice %arg4[%dma_wait3A_123, %dma_wait3A_124] : memref<40000x128xf32, #tpu.memory_space<hbm>> -> memref<64x128xf32, #tpu.memory_space<hbm>>
        %dma_wait3A_126 = arith.constant 0 : i32
        %dma_wait3A_127 = arith.constant 0 : i32
        %dma_wait3A_128 = tpu.memref_slice %arg9[%dma_wait3A_126, %dma_wait3A_127] : memref<128x128xf32, #tpu.memory_space<vmem>> -> memref<64x128xf32, #tpu.memory_space<vmem>>
        %dma_wait3A_129 = arith.constant 39936 : i32
        %dma_wait3A_130 = arith.constant 0 : i32
        %dma_wait3A_131 = tpu.memref_slice %arg4[%dma_wait3A_129, %dma_wait3A_130] : memref<40000x128xf32, #tpu.memory_space<hbm>> -> memref<64x128xf32, #tpu.memory_space<hbm>>
        tpu.wait_dma2 semaphore(%run_scoped3A_109 : memref<!tpu.dma_semaphore, #tpu.memory_space<semaphore_mem>>) src(%dma_wait3A_131 : memref<64x128xf32, #tpu.memory_space<hbm>>) dst(%dma_wait3A_128 : memref<64x128xf32, #tpu.memory_space<vmem>>)
        tpu.yield
      }) : () -> ()
      %run_scoped3A_108 = arith.constant 0 : i32
      "tpu.region"() ({
        %run_scoped3A_109 = tpu.sem_alloc : memref<!tpu.dma_semaphore, #tpu.memory_space<semaphore_mem>>
        %dma_start3A = arith.constant 0 : i32
        %dma_start3A_110 = tpu.memref_slice %arg12[%run_scoped3A_108, %dma_start3A] : memref<3x128xi32, #tpu.memory_space<vmem>> -> memref<1x128xi32, #tpu.memory_space<vmem>>
        %dma_start3A_111 = tpu.memref_squeeze %dma_start3A_110 : memref<1x128xi32, #tpu.memory_space<vmem>> -> memref<128xi32, #tpu.memory_space<vmem>>
        %dma_start3A_112 = arith.constant 0 : i32
        %dma_start3A_113 = arith.constant 0 : i32
        %dma_start3A_114 = tpu.memref_slice %arg8[%dma_start3A_112, %dma_start3A_113] : memref<10000x128xf32, #tpu.memory_space<vmem_shared>> -> memref<10000x128xf32, #tpu.memory_space<vmem_shared>>
        tpu.enqueue_indirect_dma source(%arg9 : memref<128x128xf32, #tpu.memory_space<vmem>>) target(%dma_start3A_114 : memref<10000x128xf32, #tpu.memory_space<vmem_shared>>) offsets(%dma_start3A_111 : memref<128xi32, #tpu.memory_space<vmem>>) semaphore(%run_scoped3A_109 : memref<!tpu.dma_semaphore, #tpu.memory_space<semaphore_mem>>) {add = true}
        %dma_wait3A = arith.constant 0 : i32
        %dma_wait3A_115 = tpu.memref_slice %arg12[%run_scoped3A_108, %dma_wait3A] : memref<3x128xi32, #tpu.memory_space<vmem>> -> memref<1x128xi32, #tpu.memory_space<vmem>>
        %dma_wait3A_116 = tpu.memref_squeeze %dma_wait3A_115 : memref<1x128xi32, #tpu.memory_space<vmem>> -> memref<128xi32, #tpu.memory_space<vmem>>
        %dma_wait3A_117 = arith.constant 0 : i32
        %dma_wait3A_118 = arith.constant 0 : i32
        %dma_wait3A_119 = tpu.memref_slice %arg8[%dma_wait3A_117, %dma_wait3A_118] : memref<10000x128xf32, #tpu.memory_space<vmem_shared>> -> memref<10000x128xf32, #tpu.memory_space<vmem_shared>>
        tpu.wait_indirect_dma semaphore(%run_scoped3A_109 : memref<!tpu.dma_semaphore, #tpu.memory_space<semaphore_mem>>) src(%arg9 : memref<128x128xf32, #tpu.memory_space<vmem>>) dst(%dma_wait3A_119 : memref<10000x128xf32, #tpu.memory_space<vmem_shared>>)
        tpu.yield
      }) : () -> ()
    } else {
    }
    %barrier3A_67 = arith.constant 0 : index
    tpu.barrier barrier_id(%barrier3A_67)
    "tpu.region"() ({
      %run_scoped3A = tpu.sem_alloc : memref<!tpu.dma_semaphore, #tpu.memory_space<semaphore_mem>>
      %dma_start3A = arith.constant 0 : i32
      %dma_start3A_73 = tpu.memref_slice %arg7[%arg0, %mul3A_0, %dma_start3A] : memref<2x10000x128xf32, #tpu.memory_space<hbm>> -> memref<1x624x128xf32, #tpu.memory_space<hbm>>
      %dma_start3A_74 = tpu.memref_squeeze %dma_start3A_73 : memref<1x624x128xf32, #tpu.memory_space<hbm>> -> memref<624x128xf32, #tpu.memory_space<hbm>>
      %dma_start3A_75 = arith.constant 0 : i32
      %dma_start3A_76 = tpu.memref_slice %arg8[%mul3A_0, %dma_start3A_75] : memref<10000x128xf32, #tpu.memory_space<vmem_shared>> -> memref<624x128xf32, #tpu.memory_space<vmem_shared>>
      tpu.enqueue_dma source(%dma_start3A_76 : memref<624x128xf32, #tpu.memory_space<vmem_shared>>) target(%dma_start3A_74 : memref<624x128xf32, #tpu.memory_space<hbm>>) target_semaphore(%run_scoped3A : memref<!tpu.dma_semaphore, #tpu.memory_space<semaphore_mem>>)
      %dma_wait3A = arith.constant 0 : i32
      %dma_wait3A_77 = tpu.memref_slice %arg7[%arg0, %mul3A_0, %dma_wait3A] : memref<2x10000x128xf32, #tpu.memory_space<hbm>> -> memref<1x624x128xf32, #tpu.memory_space<hbm>>
      %dma_wait3A_78 = tpu.memref_squeeze %dma_wait3A_77 : memref<1x624x128xf32, #tpu.memory_space<hbm>> -> memref<624x128xf32, #tpu.memory_space<hbm>>
      %dma_wait3A_79 = arith.constant 0 : i32
      %dma_wait3A_80 = tpu.memref_slice %arg8[%mul3A_0, %dma_wait3A_79] : memref<10000x128xf32, #tpu.memory_space<vmem_shared>> -> memref<624x128xf32, #tpu.memory_space<vmem_shared>>
      tpu.wait_dma2 semaphore(%run_scoped3A : memref<!tpu.dma_semaphore, #tpu.memory_space<semaphore_mem>>) src(%dma_wait3A_80 : memref<624x128xf32, #tpu.memory_space<vmem_shared>>) dst(%dma_wait3A_78 : memref<624x128xf32, #tpu.memory_space<hbm>>)
      tpu.yield
    }) : () -> ()
    %eq3A_68 = arith.constant 15 : i32
    %eq3A_69 = arith.cmpi eq, %arg1, %eq3A_68 : i32
    %convert_element_type3A_70 = arith.extui %eq3A_69 : i1 to i32
    %cond3A_71 = arith.constant 0 : i32
    %cond3A_72 = arith.cmpi ne, %convert_element_type3A_70, %cond3A_71 : i32
    scf.if %cond3A_72 {
      "tpu.region"() ({
        %run_scoped3A = tpu.sem_alloc : memref<!tpu.dma_semaphore, #tpu.memory_space<semaphore_mem>>
        %dma_start3A = arith.constant 9984 : i32
        %dma_start3A_73 = arith.constant 0 : i32
        %dma_start3A_74 = tpu.memref_slice %arg7[%arg0, %dma_start3A, %dma_start3A_73] : memref<2x10000x128xf32, #tpu.memory_space<hbm>> -> memref<1x16x128xf32, #tpu.memory_space<hbm>>
        %dma_start3A_75 = tpu.memref_squeeze %dma_start3A_74 : memref<1x16x128xf32, #tpu.memory_space<hbm>> -> memref<16x128xf32, #tpu.memory_space<hbm>>
        %dma_start3A_76 = arith.constant 9984 : i32
        %dma_start3A_77 = arith.constant 0 : i32
        %dma_start3A_78 = tpu.memref_slice %arg8[%dma_start3A_76, %dma_start3A_77] : memref<10000x128xf32, #tpu.memory_space<vmem_shared>> -> memref<16x128xf32, #tpu.memory_space<vmem_shared>>
        tpu.enqueue_dma source(%dma_start3A_78 : memref<16x128xf32, #tpu.memory_space<vmem_shared>>) target(%dma_start3A_75 : memref<16x128xf32, #tpu.memory_space<hbm>>) target_semaphore(%run_scoped3A : memref<!tpu.dma_semaphore, #tpu.memory_space<semaphore_mem>>)
        %dma_wait3A = arith.constant 9984 : i32
        %dma_wait3A_79 = arith.constant 0 : i32
        %dma_wait3A_80 = tpu.memref_slice %arg7[%arg0, %dma_wait3A, %dma_wait3A_79] : memref<2x10000x128xf32, #tpu.memory_space<hbm>> -> memref<1x16x128xf32, #tpu.memory_space<hbm>>
        %dma_wait3A_81 = tpu.memref_squeeze %dma_wait3A_80 : memref<1x16x128xf32, #tpu.memory_space<hbm>> -> memref<16x128xf32, #tpu.memory_space<hbm>>
        %dma_wait3A_82 = arith.constant 9984 : i32
        %dma_wait3A_83 = arith.constant 0 : i32
        %dma_wait3A_84 = tpu.memref_slice %arg8[%dma_wait3A_82, %dma_wait3A_83] : memref<10000x128xf32, #tpu.memory_space<vmem_shared>> -> memref<16x128xf32, #tpu.memory_space<vmem_shared>>
        tpu.wait_dma2 semaphore(%run_scoped3A : memref<!tpu.dma_semaphore, #tpu.memory_space<semaphore_mem>>) src(%dma_wait3A_84 : memref<16x128xf32, #tpu.memory_space<vmem_shared>>) dst(%dma_wait3A_81 : memref<16x128xf32, #tpu.memory_space<hbm>>)
        tpu.yield
      }) : () -> ()
    } else {
    }
    return
  }
}

module attributes {stable_mosaic.version = 14 : i64} {
  func.func @_mlp_body(%arg0: i32, %arg1: memref<2000x128xf32, #tpu.memory_space<vmem>>, %arg2: memref<2x2000x128xf32, #tpu.memory_space<vmem>>, %arg3: memref<2x2000x128xf32, #tpu.memory_space<vmem>>, %arg4: memref<384x128xf32, #tpu.memory_space<vmem>>, %arg5: memref<1x128xf32, #tpu.memory_space<vmem>>, %arg6: memref<128x128xf32, #tpu.memory_space<vmem>>, %arg7: memref<1x128xf32, #tpu.memory_space<vmem>>, %arg8: memref<2000x128xf32, #tpu.memory_space<vmem>>) attributes {dimension_semantics = [#tpu.dimension_semantics<arbitrary>], iteration_bounds = array<i64: 5>, scalar_prefetch = 0 : i64, scratch_operands = 0 : i64, tpu.core_type = #tpu.core_type<tc>, window_params = [{transform_indices = @transform_0, window_bounds = array<i64: 2000, 128>}, {transform_indices = @transform_1, window_bounds = array<i64: 2, 2000, 128>}, {transform_indices = @transform_2, window_bounds = array<i64: 2, 2000, 128>}, {pipeline_mode = #tpu.pipeline_mode<synchronous>, transform_indices = @transform_3, window_bounds = array<i64: 384, 128>}, {pipeline_mode = #tpu.pipeline_mode<synchronous>, transform_indices = @transform_4, window_bounds = array<i64: 1, 128>}, {pipeline_mode = #tpu.pipeline_mode<synchronous>, transform_indices = @transform_5, window_bounds = array<i64: 128, 128>}, {pipeline_mode = #tpu.pipeline_mode<synchronous>, transform_indices = @transform_6, window_bounds = array<i64: 1, 128>}, {transform_indices = @transform_7, window_bounds = array<i64: 2000, 128>}]} {
    %get3A = arith.constant 0 : index
    %get3A_0 = arith.constant 0 : index
    %get3A_1 = vector.load %arg1[%get3A, %get3A_0] : memref<2000x128xf32, #tpu.memory_space<vmem>>, vector<2000x128xf32>
    %get3A_2 = arith.constant 0 : index
    %get3A_3 = arith.constant 0 : index
    %get3A_4 = arith.constant 0 : index
    %get3A_5 = vector.load %arg2[%get3A_2, %get3A_3, %get3A_4] : memref<2x2000x128xf32, #tpu.memory_space<vmem>>, vector<1x2000x128xf32>
    %get3A_6 = vector.shape_cast %get3A_5 : vector<1x2000x128xf32> to vector<2000x128xf32>
    %get3A_7 = arith.constant 1 : index
    %get3A_8 = arith.constant 0 : index
    %get3A_9 = arith.constant 0 : index
    %get3A_10 = vector.load %arg2[%get3A_7, %get3A_8, %get3A_9] : memref<2x2000x128xf32, #tpu.memory_space<vmem>>, vector<1x2000x128xf32>
    %get3A_11 = vector.shape_cast %get3A_10 : vector<1x2000x128xf32> to vector<2000x128xf32>
    %add3A = arith.addf %get3A_6, %get3A_11 : vector<2000x128xf32>
    %get3A_12 = arith.constant 0 : index
    %get3A_13 = arith.constant 0 : index
    %get3A_14 = arith.constant 0 : index
    %get3A_15 = vector.load %arg3[%get3A_12, %get3A_13, %get3A_14] : memref<2x2000x128xf32, #tpu.memory_space<vmem>>, vector<1x2000x128xf32>
    %get3A_16 = vector.shape_cast %get3A_15 : vector<1x2000x128xf32> to vector<2000x128xf32>
    %get3A_17 = arith.constant 1 : index
    %get3A_18 = arith.constant 0 : index
    %get3A_19 = arith.constant 0 : index
    %get3A_20 = vector.load %arg3[%get3A_17, %get3A_18, %get3A_19] : memref<2x2000x128xf32, #tpu.memory_space<vmem>>, vector<1x2000x128xf32>
    %get3A_21 = vector.shape_cast %get3A_20 : vector<1x2000x128xf32> to vector<2000x128xf32>
    %add3A_22 = arith.addf %get3A_16, %get3A_21 : vector<2000x128xf32>
    %sub3A = arith.subf %add3A_22, %add3A : vector<2000x128xf32>
    %get3A_23 = arith.constant 0 : index
    %get3A_24 = arith.constant 0 : index
    %get3A_25 = vector.load %arg4[%get3A_23, %get3A_24] : memref<384x128xf32, #tpu.memory_space<vmem>>, vector<128x128xf32>
    %dot_general3A = arith.constant dense<0.000000e+00> : vector<2000x128xf32>
    %dot_general3A_26 = tpu.matmul %get3A_1, %get3A_25, %dot_general3A {dimension_numbers = #tpu.dot_dimension_numbers<[1], [0], [0], [1], [0, 0, 1, 1], [], []>, transpose_lhs_hint = false} : vector<2000x128xf32>, vector<128x128xf32>, vector<2000x128xf32> -> vector<2000x128xf32>
    %get3A_27 = arith.constant 128 : index
    %get3A_28 = arith.constant 0 : index
    %get3A_29 = vector.load %arg4[%get3A_27, %get3A_28] : memref<384x128xf32, #tpu.memory_space<vmem>>, vector<128x128xf32>
    %dot_general3A_30 = arith.constant dense<0.000000e+00> : vector<2000x128xf32>
    %dot_general3A_31 = tpu.matmul %add3A, %get3A_29, %dot_general3A_30 {dimension_numbers = #tpu.dot_dimension_numbers<[1], [0], [0], [1], [0, 0, 1, 1], [], []>, transpose_lhs_hint = false} : vector<2000x128xf32>, vector<128x128xf32>, vector<2000x128xf32> -> vector<2000x128xf32>
    %add3A_32 = arith.addf %dot_general3A_26, %dot_general3A_31 : vector<2000x128xf32>
    %get3A_33 = arith.constant 256 : index
    %get3A_34 = arith.constant 0 : index
    %get3A_35 = vector.load %arg4[%get3A_33, %get3A_34] : memref<384x128xf32, #tpu.memory_space<vmem>>, vector<128x128xf32>
    %dot_general3A_36 = arith.constant dense<0.000000e+00> : vector<2000x128xf32>
    %dot_general3A_37 = tpu.matmul %sub3A, %get3A_35, %dot_general3A_36 {dimension_numbers = #tpu.dot_dimension_numbers<[1], [0], [0], [1], [0, 0, 1, 1], [], []>, transpose_lhs_hint = false} : vector<2000x128xf32>, vector<128x128xf32>, vector<2000x128xf32> -> vector<2000x128xf32>
    %add3A_38 = arith.addf %add3A_32, %dot_general3A_37 : vector<2000x128xf32>
    %get3A_39 = arith.constant 0 : index
    %get3A_40 = arith.constant 0 : index
    %get3A_41 = vector.load %arg5[%get3A_39, %get3A_40] : memref<1x128xf32, #tpu.memory_space<vmem>>, vector<1x128xf32>
    %add3A_42 = vector.broadcast %get3A_41 : vector<1x128xf32> to vector<2000x128xf32>
    %add3A_43 = arith.addf %add3A_38, %add3A_42 : vector<2000x128xf32>
    %max3A = arith.constant 0.000000e+00 : f32
    %max3A_44 = vector.broadcast %max3A : f32 to vector<2000x128xf32>
    %max3A_45 = arith.maximumf %add3A_43, %max3A_44 : vector<2000x128xf32>
    %get3A_46 = arith.constant 0 : index
    %get3A_47 = arith.constant 0 : index
    %get3A_48 = vector.load %arg6[%get3A_46, %get3A_47] : memref<128x128xf32, #tpu.memory_space<vmem>>, vector<128x128xf32>
    %dot_general3A_49 = arith.constant dense<0.000000e+00> : vector<2000x128xf32>
    %dot_general3A_50 = tpu.matmul %max3A_45, %get3A_48, %dot_general3A_49 {dimension_numbers = #tpu.dot_dimension_numbers<[1], [0], [0], [1], [0, 0, 1, 1], [], []>, transpose_lhs_hint = false} : vector<2000x128xf32>, vector<128x128xf32>, vector<2000x128xf32> -> vector<2000x128xf32>
    %get3A_51 = arith.constant 0 : index
    %get3A_52 = arith.constant 0 : index
    %get3A_53 = vector.load %arg7[%get3A_51, %get3A_52] : memref<1x128xf32, #tpu.memory_space<vmem>>, vector<1x128xf32>
    %add3A_54 = vector.broadcast %get3A_53 : vector<1x128xf32> to vector<2000x128xf32>
    %add3A_55 = arith.addf %dot_general3A_50, %add3A_54 : vector<2000x128xf32>
    %swap3A = arith.constant 0 : index
    %swap3A_56 = arith.constant 0 : index
    %swap3A_57 = vector.load %arg8[%swap3A, %swap3A_56] : memref<2000x128xf32, #tpu.memory_space<vmem>>, vector<2000x128xf32>
    tpu.vector_store %arg8[%swap3A, %swap3A_56], %add3A_55 {strides = array<i32>} : memref<2000x128xf32, #tpu.memory_space<vmem>>, vector<2000x128xf32>,
    return
  }
  func.func @transform_0(%arg0: i32) -> (i32, i32) {
    %c0_i32 = arith.constant 0 : i32
    %c0_i32_0 = arith.constant 0 : i32
    return %arg0, %c0_i32 : i32, i32
  }
  func.func @transform_1(%arg0: i32) -> (i32, i32, i32) {
    %c0_i32 = arith.constant 0 : i32
    %c0_i32_0 = arith.constant 0 : i32
    %c0_i32_1 = arith.constant 0 : i32
    return %c0_i32, %arg0, %c0_i32_0 : i32, i32, i32
  }
  func.func @transform_2(%arg0: i32) -> (i32, i32, i32) {
    %c0_i32 = arith.constant 0 : i32
    %c0_i32_0 = arith.constant 0 : i32
    %c0_i32_1 = arith.constant 0 : i32
    return %c0_i32, %arg0, %c0_i32_0 : i32, i32, i32
  }
  func.func @transform_3(%arg0: i32) -> (i32, i32) {
    %c0_i32 = arith.constant 0 : i32
    %c0_i32_0 = arith.constant 0 : i32
    %c0_i32_1 = arith.constant 0 : i32
    return %c0_i32, %c0_i32_0 : i32, i32
  }
  func.func @transform_4(%arg0: i32) -> (i32, i32) {
    %c0_i32 = arith.constant 0 : i32
    %c0_i32_0 = arith.constant 0 : i32
    %c0_i32_1 = arith.constant 0 : i32
    return %c0_i32, %c0_i32_0 : i32, i32
  }
  func.func @transform_5(%arg0: i32) -> (i32, i32) {
    %c0_i32 = arith.constant 0 : i32
    %c0_i32_0 = arith.constant 0 : i32
    %c0_i32_1 = arith.constant 0 : i32
    return %c0_i32, %c0_i32_0 : i32, i32
  }
  func.func @transform_6(%arg0: i32) -> (i32, i32) {
    %c0_i32 = arith.constant 0 : i32
    %c0_i32_0 = arith.constant 0 : i32
    %c0_i32_1 = arith.constant 0 : i32
    return %c0_i32, %c0_i32_0 : i32, i32
  }
  func.func @transform_7(%arg0: i32) -> (i32, i32) {
    %c0_i32 = arith.constant 0 : i32
    %c0_i32_0 = arith.constant 0 : i32
    return %arg0, %c0_i32 : i32, i32
  }
}

</mosaic_0001>

<sc_bundles>
// kernel: kernel.4.cloned.1.call-start
scs
__scs_entry_jumppad:
0x0: {  	(pc) =	sbr.rel $0x88, $3  }
0x1: {  	(tag) =	ssettag $0x0;
	lr =	simm.s32 $0x1  }
0x2: {  	[smem:$0x3F98] =	sst lr;
	_ =	strace $0xD0000000  }
0x3: {  	_ = 	snop  }
0x4: {  	_ = 	snop  }
0x5: {  	_ = 	snop  }
0x6: {  	_ = 	snop  }
0x7: {  	_ = 	snop  }
__scs_overlays_trampoline_lowered:
0x8: {  	[smem:$0x3FA7] =	sst s0  }
0x9: {  	[smem:$0x3FA8] =	sst s1  }
0xa: {  	[smem:$0x3FA9] =	sst s2  }
0xb: {  	[smem:$0x3FAA] =	sst s3  }
0xc: {  	[smem:$0x3FAB] =	sst s4  }
0xd: {  	[smem:$0x3FAC] =	sst s5  }
0xe: {  	[smem:$0x3FAD] =	sst s6  }
0xf: {  	[smem:$0x3FAE] =	sst s7  }
0x10: {  	[smem:$0x3FAF] =	sst s8  }
0x11: {  	[smem:$0x3FB0] =	sst s9;
	s0 =	simm.s32 @!p0 $0x0  }
0x12: {  	s1 =	sld [smem:$0x3F96];
	s0 =	simm.s32 @p0 $0x1  }
0x13: {  	[smem:$0x3FB1] =	sst s0;
	s0 =	simm.s32 @!p1 $0x0  }
0x14: {  	s2 =	sld [smem:$0x3F95];
	s0 =	simm.s32 @p1 $0x1  }
0x15: {  	[smem:$0x3FB2] =	sst s0;
	s0 =	simm.s32 @!p2 $0x0  }
0x16: {  	s3 =	sld [smem:$0x3FDB];
	s0 =	simm.s32 @p2 $0x1  }
0x17: {  	s4 =	simm.s32 $0x1BF5;
	[smem:$0x3FB4] =	sst s0  }
0x18: {  	s0 =	sld [smem:$0x3F97];
	_ =	swait.ge [sflag:s4], $0x0  }
0x19: {  	s7 =	sld [smem:$0x3F98]  }
0x1a: {  	s8 =	sadd.s32 $0xFFFFE003, lr  }
0x1b: {  	s9 =	sadd.s32 $0xFFFFFEF7, lr;
	s5 =	simm.s32 $0xFFFFFFFF;
	p2 =	slt.u32 s8, $0xFFFFF086  }
0x1c: {  	p1 =	slt.u32 s9, $0xF7A;
	s5 =	simm.s32 @!p2 $0x0  }
0x1d: {  	s5 =	simm.s32 @p1 $0x1;
	p0 =	seq.s32 s7, s2  }
0x1e: {  	s7 =	smul.u32 @!p0 $0xF7A, s2;
	p2 =	seq.s32 @!p0 s5, $0x0  }
0x1f: {  	s9 =	smul.u32 $0xF7A, s1;
	s8 =	simm.s32 @!p0 $0x1BF5;
	p2 =	por !p2, p0  }
0x20: {  	[sflag:s8] =	ssyncset.s32 @!p0 $0xFFFFF086;
	s6 =	sadd.s32 @!p0 s3, s7;
	s7 =	simm.s32 @!p0 $0x108  }
0x21: {  	s3 =	sadd.s32 s3, s9;
	s6 =	sadd.s32 @!p0 $0x88, s6;
	s7 =	simm.s32 @p2 $0x1082  }
0x22: {  	[simem:s7], [sflag:s8] =	dma.local @!p0 [hbm:s6], $0xF7A  }
0x23: {  	s9 =	sor.u32 $0xD0000000, s2;
	s6 =	simm.s32 $0x108;
	_ =	swait.ge @!p0 [sflag:s8], $0x0  }
0x24: {  	s3 =	sadd.s32 $0x88, s3;
	s6 =	simm.s32 @!p1 $0x1082;
	[sflag:s4] =	ssyncset.s32 $0xFFFFF086  }
0x25: {  	[simem:s6], [sflag:s4] =	dma.local [hbm:s3], $0xF7A  }
0x26: {  	[smem:$0x3F98] =	sst s1;
	(tag) =	ssettag s2;
	_ =	strace s9  }
0x27: {  	s1 =	sld [smem:$0x3FA8]  }
0x28: {  	s2 =	sld [smem:$0x3FA9]  }
0x29: {  	s4 =	sld [smem:$0x3FAB]  }
0x2a: {  	p0 =	seq.s32 s5, $0x0;
	s5 =	sld [smem:$0x3FAC]  }
0x2b: {  	s6 =	sld [smem:$0x3FAD]  }
0x2c: {  	s7 =	sld [smem:$0x3FAE]  }
0x2d: {  	s3 =	simm.s32 $0x108;
	s8 =	sld [smem:$0x3FAF]  }
0x2e: {  	s3 =	simm.s32 @!p0 $0x1082;
	s9 =	sld [smem:$0x3FB0]  }
0x2f: {  	lr =	sadd.s32 s0, s3;
	s0 =	sld [smem:$0x3FA7]  }
0x30: {  	s3 =	sld [smem:$0x3FAA]  }
0x31: {  	[smem:$0x3FB3] =	sst s10  }
0x32: {  	s10 =	sld [smem:$0x3FB1];
	_ =	sdelay $0x3  }
0x33: {  	p0 =	seq.s32 s10, $0x1;
	s10 =	sld [smem:$0x3FB3];
	_ =	sdelay $0x3  }
0x34: {  	[smem:$0x3FB3] =	sst s10  }
0x35: {  	s10 =	sld [smem:$0x3FB2];
	_ =	sdelay $0x3  }
0x36: {  	p1 =	seq.s32 s10, $0x1;
	s10 =	sld [smem:$0x3FB3];
	_ =	sdelay $0x3  }
0x37: {  	[smem:$0x3FB3] =	sst s10  }
0x38: {  	s10 =	sld [smem:$0x3FB4]  }
0x39: {  	_ = 	snop;
	(pc) =	sbr.ind lr, $3  }
0x3a: {  	_ = 	snop  }
0x3b: {  	_ = 	snop  }
0x3c: {  	p2 =	seq.s32 s10, $0x1;
	s10 =	sld [smem:$0x3FB3]  }
0x3d: {  	_ =	shalt  }
0x3e: {  	_ =	shalt  }
0x3f: {  	_ =	shalt  }
0x40: {  	_ =	shalt  }
0x41: {  	_ =	shalt  }
0x42: {  	_ =	shalt  }
0x43: {  	_ =	shalt  }
0x44: {  	_ =	shalt  }
0x45: {  	_ =	shalt  }
0x46: {  	_ =	shalt  }
0x47: {  	_ =	shalt  }
0x48: {  	_ =	shalt  }
0x49: {  	_ =	shalt  }
0x4a: {  	_ =	shalt  }
0x4b: {  	_ =	shalt  }
0x4c: {  	_ =	shalt  }
0x4d: {  	_ =	shalt  }
0x4e: {  	_ =	shalt  }
0x4f: {  	_ =	shalt  }
0x50: {  	_ =	shalt  }
0x51: {  	_ =	shalt  }
0x52: {  	_ =	shalt  }
0x53: {  	_ =	shalt  }
0x54: {  	_ =	shalt  }
0x55: {  	_ =	shalt  }
0x56: {  	_ =	shalt  }
0x57: {  	_ =	shalt  }
0x58: {  	_ =	shalt  }
0x59: {  	_ =	shalt  }
0x5a: {  	_ =	shalt  }
0x5b: {  	_ =	shalt  }
0x5c: {  	_ =	shalt  }
0x5d: {  	_ =	shalt  }
0x5e: {  	_ =	shalt  }
0x5f: {  	_ =	shalt  }
0x60: {  	_ =	shalt  }
0x61: {  	_ =	shalt  }
0x62: {  	_ =	shalt  }
0x63: {  	_ =	shalt  }
0x64: {  	_ =	shalt  }
0x65: {  	_ =	shalt  }
0x66: {  	_ =	shalt  }
0x67: {  	_ =	shalt  }
0x68: {  	_ =	shalt  }
0x69: {  	_ =	shalt  }
0x6a: {  	_ =	shalt  }
0x6b: {  	_ =	shalt  }
0x6c: {  	_ =	shalt  }
0x6d: {  	_ =	shalt  }
0x6e: {  	_ =	shalt  }
0x6f: {  	_ =	shalt  }
0x70: {  	_ =	shalt  }
0x71: {  	_ =	shalt  }
0x72: {  	_ =	shalt  }
0x73: {  	_ =	shalt  }
0x74: {  	_ =	shalt  }
0x75: {  	_ =	shalt  }
0x76: {  	_ =	shalt  }
0x77: {  	_ =	shalt  }
0x78: {  	_ =	shalt  }
0x79: {  	_ =	shalt  }
0x7a: {  	_ =	shalt  }
0x7b: {  	_ =	shalt  }
0x7c: {  	_ =	shalt  }
0x7d: {  	_ =	shalt  }
0x7e: {  	_ =	shalt  }
0x7f: {  	_ =	shalt  }
0x80: {  	_ =	shalt  }
0x81: {  	_ =	shalt  }
0x82: {  	_ =	shalt  }
0x83: {  	_ =	shalt  }
0x84: {  	_ =	shalt  }
0x85: {  	_ =	shalt  }
0x86: {  	_ =	shalt  }
0x87: {  	_ =	shalt  }
.Lfunc_end0:
.L_simem_size_0:
called_computation_lowered:
.L_overlay_start_0:
0x88: {  	s2 =	sld [smem:$0x3FD9]  }
0x89: {  	s3 =	sld [smem:$0x3FFE];
	_ =	sdelay $0x1  }
0x8a: {  	s1 =	srdreg.scid  }
0x8b: {  	s0 =	sand.u32 $0x1, s1  }
0x8c: {  	s17 =	sshll.u32 s0, $0xA;
	s2 =	sadd.s32 s3, s2  }
0x8d: {  	s2 =	sadd.s32 s2, s17  }
0x8e: {  	[smem:$0x3FBF] =	sst s2  }
0x8f: {  	_ = 	snop  }
0x90: {  	s2 =	sld [smem:$0x3FC7]  }
0x91: {  	s18 =	sld [smem:$0x3FC5]  }
0x92: {  	s4 =	sld [smem:$0x3FD0];
	(tm) =	ssettm $0x1  }
0x93: {  	s5 =	sld [smem:$0x3FFB];
	_ =	sdelay $0x3  }
0x94: {  	_ =	strace s5  }
0x95: {  	s5 =	sld [smem:$0x3FFC];
	_ =	sdelay $0x3  }
0x96: {  	_ =	strace s5  }
0x97: {  	s5 =	sld [smem:$0x3FFD];
	_ =	sdelay $0x3  }
0x98: {  	_ =	strace s5  }
0x99: {  	_ =	strace $0x8FFFFFFF  }
0x9a: {  	s19 =	sld [smem:$0x3FDB];
	_ =	sdelay $0x1  }
0x9b: {  	s6 =	simm.s32 $_scs_section_size  }
0x9c: {  	s7 =	simm.s32 $_size__tile_overlayer_lowered;
	s8 =	simm.s32 $_tile_overlayer_lowered  }
0x9d: {  	s22 =	simm.s32 $0x1BFF;
	s21 =	sshll.u32 s8, $0x1;
	s5 =	sadd.s32 s6, s19  }
0x9e: {  	s9 =	simm.s32 $0x0;
	s20 =	sshll.u32 s7, $0x1;
	s7 =	sadd.s32 s21, s5  }
0x9f: {  	[timem:s9], [sflag:s22] =	dma.local [hbm:s7], s20  }
0xa0: {  	_ =	swait.ge [sflag:s22], s20  }
0xa1: {  	s6 =	ssub.s32 $0x0, s20;
	[sflag:s22] =	ssyncset.done $0x0  }
0xa2: {  	[sflag:s22] =	ssyncadd.s32 s6;
	_ =	sdelay $0x1  }
0xa3: {  	s23 =	simm.s32 $0x1B8B  }
0xa4: {  	_ =	swait.ge [sflag:s23], $0x1  }
0xa5: {  	[sflag:s23] =	ssyncset.done $0x0  }
0xa6: {  	s25 =	simm.s32 $0x1B8E;
	s24 =	sld [smem:$0x3FFE];
	[sflag:s23] =	ssyncadd.s32 $0xFFFFFFFF  }
0xa7: {  	s26 =	simm.s32 $execute0_lowered;
	[smem:$0x3FD2] =	sst s25  }
0xa8: {  	s7 =	sshll.u32 s26, $0x1;
	_ =	strace $0x80000046;
	[dreg:$0x1] =	wrdreg $0xFFFFFFFF  }
0xa9: {  	s28 =	simm.s32 $_size_execute0_lowered;
	s5 =	sadd.s32 s5, s7;
	[dreg:$0x0] =	wrdreg $0x0  }
0xaa: {  	s7 =	sshll.u32 s28, $0x1;
	[dreg:$0x2] =	wrdreg s5  }
0xab: {  	[dreg:$0x3] =	wrdreg s7  }
0xac: {  	[dreg:$0x4] =	wrdreg $0xC0  }
0xad: {  	_ =	task [dreg:s9], $0x5FFFF  }
0xae: {  	[dreg:$0x1] =	wrdreg $0xFFFFFFFF  }
0xaf: {  	[dreg:$0x0] =	wrdreg $0x60  }
0xb0: {  	[dreg:$0x2] =	wrdreg s2  }
0xb1: {  	[dreg:$0x3] =	wrdreg s4  }
0xb2: {  	[dreg:$0x4] =	wrdreg s18  }
0xb3: {  	[dreg:$0x5] =	wrdreg s24  }
0xb4: {  	[dreg:$0x6] =	wrdreg $0x0  }
0xb5: {  	[dreg:$0x7] =	wrdreg $0x9  }
0xb6: {  	_ =	task.clear_ibuf [dreg:s9], $0x8FFFF;
	_ =	strace $0x90000046  }
0xb7: {  	s29 =	simm.s32 $0x9;
	_ =	strace $0x80000048  }
0xb8: {  	_ =	swait.ge [sflag:s29], $0x1  }
0xb9: {  	[sflag:s29] =	ssyncadd.s32 $0xFFFFFFFF  }
0xba: {  	_ =	strace $0x90000048  }
0xbb: {  	_ =	sfence  }
0xbc: {  	s30 =	sld [smem:$0x0];
	_ =	sdelay $0x2  }
0xbd: {  	s31 =	sshll.u32 s1, $0xD;
	s1 =	sshrl.u32 s1, $0x2  }
0xbe: {  	s3 =	sand.u32 $0x4000, s31;
	s1 =	sadd.s32 s1, s30  }
0xbf: {  	s0 =	sor.u32 s3, s0;
	s1 =	sshll.u32 s1, $0x11  }
0xc0: {  	s0 =	sor.u32 s1, s0  }
0xc1: {  	s0 =	sadd.s32 $0x8F2B, s0  }
0xc2: {  	[sflag:s0] =	ssyncadd.remote.s32 $0x1  }
0xc3: {  	_ =	sfence.sel $0xFFFF  }
0xc4: {  	[dreg:$0x0] =	wrdreg $0xFFFFFFFF;
	(pc) =	sbr.abs _section_cstart, $3  }
0xc5: {  	[dreg:$0x1] =	wrdreg $0xFFFFFFFF  }
0xc6: {  	_ =	task.clear_ibuf [dreg:s9], $0x2FFFF;
	_ =	strace $0x9FFFFFFF  }
0xc7: {  	(tm) =	ssettm $0x7FFFFFFF  }
tec
execute0_lowered:
.L_overlay_start_1:
0x0: {  	(tag) =	ssettag $0x1  }
0x1: {  	s4 =	rddreg [dreg:$0x0]  }
0x2: {  	s5 =	rddreg [dreg:$0x1]  }
0x3: {  	s0 =	rddreg [dreg:$0x2]  }
0x4: {  	s3 =	rddreg [dreg:$0x3]  }
0x5: {  	s1 =	rddreg [dreg:$0x4];
	s2 =	simm.s32 $0x0  }
0x6: {  	s6 =	srdreg.scid;
	s19 =	stileid.u32;
	s29 =	simm.s32 $0x17880  }
0x7: {  	[smem:$0x7FF] =	sst s2;
	s6 =	sand.u32 $0x1, s6;
	s9 =	sadd.s32 $0xA00, s3  }
0x8: {  	s10 =	sadd.s32 $0x1E00, s3;
	s13 =	sadd.s32 $0x50000, s3;
	s25 =	smul.u32 $0x4E000, s19  }
0x9: {  	s14 =	sor.u32 $0x10, s19;
	s17 =	smul.u32 $0x13800, s19;
	s22 =	ssub.s32 $0x4F2, s19  }
0xa: {  	s3 =	sadd.s32 $0x1D80, s3;
	p1 =	sne.s32 s19, $0xF;
	s7 =	smul.u32 $0x4E2, s6  }
0xb: {  	s30 =	ssub.s32 $0x4E2, s19;
	s31 =	ssub.s32 $0x4D2, s19;
	s15 =	smul.u32 $0x9C, s6  }
0xc: {  	_ =	strace $0x80000047;
	s8 =	ssub.s32 $0x2, s6;
	s16 =	smul.u32 $0x138800, s6  }
0xd: {  	s23 =	smul.u32 $0x271000, s6;
	[dreg:$0x6] =	wrdreg s22;
	s11 =	sshrl.u32 s8, $0x1  }
0xe: {  	[dreg:$0x16] =	wrdreg s3;
	s12 =	sadd.s32 s19, s7;
	s11 =	ssub.s32 s8, s11  }
0xf: {  	s7 =	sadd.s32 s7, s14;
	s28 =	sadd.s32 s17, s16;
	s16 =	sshrl.u32 s16, $0x3  }
0x10: {  	s14 =	sadd.s32 s15, s14;
	s24 =	sshll.u32 s12, $0x4;
	s12 =	sshll.u32 s12, $0xB  }
0x11: {  	s26 =	sshll.u32 s7, $0x4;
	s7 =	sshll.u32 s7, $0xB;
	s17 =	sadd.s32 $0x27000, s16  }
0x12: {  	s16 =	sshll.u32 s19, $0xB;
	s8 =	sadd.s32 s5, s24;
	s12 =	sadd.s32 s4, s12  }
0x13: {  	s7 =	sadd.s32 s4, s7;
	s21 =	sadd.s32 s13, s17;
	[dreg:$0x8] =	wrdreg s8  }
0x14: {  	s24 =	ssub.s32 $0xAC, s19;
	s4 =	sadd.s32 s23, s4;
	[dreg:$0x9] =	wrdreg s12  }
0x15: {  	s8 =	sshrl.u32 s25, $0x2;
	s12 =	sadd.s32 s5, s26;
	[dreg:$0xb] =	wrdreg s7  }
0x16: {  	s7 =	sadd.s32 s19, s15;
	[dreg:$0xf] =	wrdreg s21;
	s25 =	smul.u32 $0x4E20, s6  }
0x17: {  	[dreg:$0x7] =	wrdreg s24;
	s4 =	sadd.s32 s16, s4;
	s24 =	sshll.u32 s14, $0xB  }
0x18: {  	[dreg:$0xa] =	wrdreg s12;
	s8 =	sadd.s32 s8, s1;
	s12 =	sshrl.u32 s28, $0x3  }
0x19: {  	s26 =	sshll.u32 s7, $0x4;
	s28 =	smul.u32 $0x4E000, s6;
	s18 =	sadd.s32 s10, s12  }
0x1a: {  	s7 =	sshll.u32 s7, $0xB;
	s10 =	sadd.s32 s10, s17;
	[dreg:$0xc] =	wrdreg s18  }
0x1b: {  	s20 =	sadd.s32 s13, s12;
	s15 =	sadd.s32 s9, s26;
	[dreg:$0xd] =	wrdreg s10  }
0x1c: {  	s5 =	sadd.s32 s25, s5;
	s17 =	smul.u32 $0x9C0, s6;
	[dreg:$0xe] =	wrdreg s20  }
0x1d: {  	s6 =	sor.u32 s19, s6;
	s21 =	sadd.s32 $0x4000, s8;
	[dreg:$0x10] =	wrdreg s15  }
0x1e: {  	s22 =	sadd.s32 $0x8000, s8;
	s23 =	sadd.s32 s0, s7;
	[dreg:$0x12] =	wrdreg s21  }
0x1f: {  	s25 =	smax.u32 s11, $0x1;
	s26 =	sadd.s32 $0xC000, s8;
	[dreg:$0x13] =	wrdreg s22  }
0x20: {  	s7 =	simm.s32 $0x7;
	s10 =	sadd.s32 s28, s0;
	[dreg:$0x14] =	wrdreg s23  }
0x21: {  	s18 =	sshll.u32 s14, $0x4;
	s20 =	sshll.u32 s19, $0x4;
	[dreg:$0x18] =	wrdreg s25  }
0x22: {  	p0 =	sne.s32 s6, $0x0;
	s22 =	sadd.s32 $0x20000, s4;
	[dreg:$0x19] =	wrdreg s26  }
0x23: {  	s28 =	sadd.s32 $0x10000, s8;
	s10 =	sadd.s32 s16, s10;
	s12 =	sadd.s32 s9, s18  }
0x24: {  	s9 =	sadd.s32 s17, s9;
	s5 =	sadd.s32 s20, s5;
	[dreg:$0x1a] =	wrdreg s28  }
0x25: {  	s6 =	simm.s32 @!p0 $0x0;
	[dreg:$0x11] =	wrdreg s12;
	s9 =	sadd.s32 s20, s9  }
.Ltmp0:
0x26: {  	s6 =	simm.s32 @p0 $0x1;
	s23 =	sadd.s32 $0x400, s5;
	(pc) =	sbr.rel .LBB2_1-.Ltmp0, $4  }
0x27: {  	s18 =	sadd.s32 $0x20000, s10;
	[smem:$0x7FD] =	sst s6;
	s6 =	sadd.s32 s0, s24  }
0x28: {  	s20 =	sadd.s32 $0x138000, s1;
	s0 =	sadd.s32 $0x9C000, s0;
	[dreg:$0x15] =	wrdreg s6  }
0x29: {  	s25 =	sadd.s32 $0x400, s9;
	s9 =	simm.s32 $0x0;
	[dreg:$0x17] =	wrdreg s0  }
0x2a: {  	v0 =	vimm.f32 $0.0e+00;
	v1 =	vimm.s32 $0x0;
	s0 =	ssub.s32 $0x9C, s19;
	s19 =	ssub.s32 $0x8C, s19;
	s6 =	simm.s32 $0x1F900  }
.LBB2_10:
0x2b: {  	[tilespmem:s4+$0x138F0] =	vst v0  }
0x2c: {  	[tilespmem:s4+$0x13880] =	vst v0  }
0x2d: {  	[tilespmem:s4+$0x13890] =	vst v0  }
0x2e: {  	[tilespmem:s4+$0x138A0] =	vst v0  }
0x2f: {  	[tilespmem:s4+$0x138B0] =	vst v0  }
0x30: {  	[tilespmem:s4+$0x138C0] =	vst v0  }
0x31: {  	[tilespmem:s4+$0x138D0] =	vst v0  }
0x32: {  	[tilespmem:s4+$0x138E0] =	vst v0;
	s3 =	rddreg [dreg:$0x17];
	s26 =	simm.s32 $0x13880  }
0x33: {  	[tilespmem:s26], [sflag:$0x7] =	stream.linear.gather [hbm4b:s3+s2], $0x2000, $0x38;
	[tilespmem:$0x1FA80] =	vst v63  }
0x34: {  	_ =	swait.ge [sflag:s7], $0x2000  }
0x35: {  	[sflag:s7] =	ssyncset.done $0x0  }
0x36: {  	s28 =	simm.s32 $0x1F880;
	s5 =	simm.s32 $0x80;
	[sflag:s7] =	ssyncadd.s32 $0xFFFFE000  }
0x37: {  	[spmem:s1] =	stream.indirect.scatter.add.f32 [tilespmem:s26], [sflag:$0x7], $0x80, s28, s5, $0xb8;
	[tilespmem:$0x1FA80] =	vst v63  }
0x38: {  	_ =	swait.ge [sflag:s7], $0x4000  }
0x39: {  	[sflag:s7] =	ssyncset.done $0x0  }
0x3a: {  	[sflag:s7] =	ssyncadd.s32 $0xFFFFC000  }
.LBB2_11:
0x3b: {  	[bflag:$0x0] =	sbarrier.arrive $0xFFFF  }
0x3c: {  	s3 =	rddreg [dreg:$0xe]  }
0x3d: {  	[hbm:s3], [sflag:s10] =	dma.local [spmem:s11], $0x2700  }
0x3e: {  	_ =	swait.ge [sflag:s7], $0x2700  }
0x3f: {  	[sflag:s7] =	ssyncset.done $0x0  }
0x40: {  	s3 =	rddreg [dreg:$0xf];
	[sflag:s7] =	ssyncadd.s32 $0xFFFFD900  }
0x41: {  	[hbm:s3], [sflag:s10] =	dma.local @!p1 [spmem:s12], $0x100  }
0x42: {  	s3 =	simm.s32 @!p1 $0x7  }
0x43: {  	_ =	swait.ge @!p1 [sflag:s3], $0x100  }
0x44: {  	s9 =	sadd.s32 $0x1, s9;
	s4 =	rddreg [dreg:$0x18]  }
0x45: {  	p0 =	sne.s32 s9, s4  }
.Ltmp1:
0x46: {  	_ = 	snop;
	(pc) =	sbr.rel @!p0 .LBB2_12-.Ltmp1, $3  }
0x47: {  	_ =	sdelay $0x1  }
0x48: {  	s8 =	smov.u32 s29;
	s20 =	smov.u32 s6;
	[sflag:s3] =	ssyncset.done @!p1 $0x0  }
0x49: {  	s6 =	simm.s32 $0x1F900;
	s29 =	simm.s32 $0x17880;
	[sflag:s3] =	ssyncadd.s32 @!p1 $0xFFFFFF00  }
.LBB2_1:
0x4a: {  	s3 =	rddreg [dreg:$0x8];
	s4 =	simm.s32 $0x1F880  }
0x4b: {  	[tilespmem:s4], [sflag:$0x1] =	stream.linear.gather [hbm4b:s3+s2], $0x80, $0x38;
	[tilespmem:$0x1FA80] =	vst v63  }
0x4c: {  	s21 =	rddreg [dreg:$0x9];
	s24 =	simm.s32 $0x13880  }
0x4d: {  	[tilespmem:s24], [sflag:$0x1] =	stream.linear.gather [hbm4b:s21+s2], $0x4000, $0x38;
	[tilespmem:$0x1FA80] =	vst v63  }
0x4e: {  	s26 =	rddreg [dreg:$0xa]  }
0x4f: {  	[tilespmem:s6], [sflag:$0x2] =	stream.linear.gather [hbm4b:s26+s2], $0x80, $0x38;
	[tilespmem:$0x1FA80] =	vst v63  }
0x50: {  	s28 =	rddreg [dreg:$0xb];
	s5 =	simm.s32 $0x200;
	s4 =	simm.s32 $0x0  }
0x51: {  	[tilespmem:s29], [sflag:$0x2] =	stream.linear.gather [hbm4b:s28+s2], $0x4000, $0x38;
	[tilespmem:$0x1FA80] =	vst v63  }
.LBB2_2:
0x52: {  	p2 =	sne.s32 s5, $0xFE00;
	[tilespmem:s4+$0x1B8F0] =	vst v0  }
0x53: {  	[tilespmem:s4+$0x1B880] =	vst v0  }
0x54: {  	[tilespmem:s4+$0x1B890] =	vst v0  }
.Ltmp2:
0x55: {  	[tilespmem:s4+$0x1B8A0] =	vst v0;
	(pc) =	sbr.rel @p2 .LBB2_2-.Ltmp2, $4  }
0x56: {  	[tilespmem:s4+$0x1B8B0] =	vst v0  }
0x57: {  	[tilespmem:s4+$0x1B8C0] =	vst v0  }
0x58: {  	[tilespmem:s4+$0x1B8D0] =	vst v0  }
0x59: {  	[tilespmem:s4+$0x1B8E0] =	vst v0;
	s4 =	sshra.s32 s5, $0x2;
	s5 =	sadd.s32 $0x200, s5  }
0x5a: {  	[tilespmem:s4+$0x1B8F0] =	vst v0  }
0x5b: {  	[tilespmem:s4+$0x1B880] =	vst v0  }
0x5c: {  	[tilespmem:s4+$0x1B890] =	vst v0  }
0x5d: {  	[tilespmem:s4+$0x1B8A0] =	vst v0  }
0x5e: {  	[tilespmem:s4+$0x1B8B0] =	vst v0  }
0x5f: {  	[tilespmem:s4+$0x1B8C0] =	vst v0  }
0x60: {  	[tilespmem:s4+$0x1B8D0] =	vst v0  }
0x61: {  	[tilespmem:s4+$0x1B8E0] =	vst v0;
	s21 =	simm.s32 $0x1B880  }
0x62: {  	[spmem:s8] =	stream.linear.scatter [tilespmem:s21], [sflag:$0x7], $0x4000, $0x38;
	[tilespmem:$0x1FA80] =	vst v63  }
0x63: {  	_ =	swait.ge [sflag:s7], $0x4000  }
0x64: {  	[sflag:s7] =	ssyncset.done $0x0  }
0x65: {  	s3 =	rddreg [dreg:$0x12];
	[sflag:s7] =	ssyncadd.s32 $0xFFFFC000  }
0x66: {  	[spmem:s3] =	stream.linear.scatter [tilespmem:s21], [sflag:$0x7], $0x4000, $0x38;
	[tilespmem:$0x1FA80] =	vst v63  }
0x67: {  	_ =	swait.ge [sflag:s7], $0x4000  }
0x68: {  	[sflag:s7] =	ssyncset.done $0x0  }
0x69: {  	s24 =	rddreg [dreg:$0x13];
	[sflag:s7] =	ssyncadd.s32 $0xFFFFC000  }
0x6a: {  	[spmem:s24] =	stream.linear.scatter [tilespmem:s21], [sflag:$0x7], $0x4000, $0x38;
	[tilespmem:$0x1FA80] =	vst v63  }
0x6b: {  	_ =	swait.ge [sflag:s7], $0x4000  }
0x6c: {  	[sflag:s7] =	ssyncset.done $0x0  }
0x6d: {  	s26 =	rddreg [dreg:$0x19];
	[sflag:s7] =	ssyncadd.s32 $0xFFFFC000  }
0x6e: {  	[spmem:s26] =	stream.linear.scatter [tilespmem:s21], [sflag:$0x7], $0x4000, $0x38;
	[tilespmem:$0x1FA80] =	vst v63  }
0x6f: {  	_ =	swait.ge [sflag:s7], $0x4000  }
0x70: {  	[sflag:s7] =	ssyncset.done $0x0  }
0x71: {  	s28 =	rddreg [dreg:$0x1a];
	[sflag:s7] =	ssyncadd.s32 $0xFFFFC000  }
0x72: {  	[spmem:s28] =	stream.linear.scatter [tilespmem:s21], [sflag:$0x7], $0x3800, $0x38;
	[tilespmem:$0x1FA80] =	vst v63  }
0x73: {  	_ =	swait.ge [sflag:s7], $0x3800  }
0x74: {  	[sflag:s7] =	ssyncset.done $0x0  }
0x75: {  	s4 =	simm.s32 @!p1 $0x1B880;
	[sflag:s7] =	ssyncadd.s32 $0xFFFFC800  }
0x76: {  	[spmem:s20] =	stream.linear.scatter @!p1 [tilespmem:s4], [sflag:$0x7], $0x800, $0x38;
	[tilespmem:$0x1FA80] =	vst v63  }
0x77: {  	s4 =	simm.s32 @!p1 $0x7  }
0x78: {  	_ =	swait.ge @!p1 [sflag:s4], $0x800  }
0x79: {  	p0 =	sle.u32 s30, $0x0;
	[sflag:s4] =	ssyncset.done @!p1 $0x0  }
0x7a: {  	p3 =	por p0, p0;
	[sflag:s4] =	ssyncadd.s32 @!p1 $0xFFFFF800  }
0x7b: {  	s4 =	simm.s32 @!p3 $0x1;
	[bflag:$0x0] =	sbarrier.arrive $0xFFFF  }
0x7c: {  	_ =	swait.ge @!p3 [sflag:s4], $0x80  }
0x7d: {  	[sflag:s4] =	ssyncset.done @!p3 $0x0  }
0x7e: {  	[sflag:s4] =	ssyncadd.s32 @!p3 $0xFFFFFF80  }
0x7f: {  	p0 =	por $0x1, $0x1;
	s5 =	simm.s32 @!p3 $0x80;
	_ =	swait.ge @!p3 [sflag:s4], $0x4000  }
0x80: {  	s11 =	simm.s32 @!p3 $0x13880;
	[sflag:s4] =	ssyncset.done @!p3 $0x0;
	s10 =	rddreg [dreg:$0x6]  }
0x81: {  	[sflag:s4] =	ssyncadd.s32 @!p3 $0xFFFFC000;
	s4 =	simm.s32 @!p3 $0x1F880;
	p2 =	sle.u32 @!p0 s10, $0x0  }
0x82: {  	[spmem:s1] =	stream.indirect.scatter.add.f32 @!p3 [tilespmem:s11], [sflag:$0x4], $0x80, s4, s5, $0xb8;
	[tilespmem:$0x1FA80] =	vst v63  }
0x83: {  	p0 =	por p2, p0  }
0x84: {  	s4 =	simm.s32 @!p0 $0x6  }
0x85: {  	p4 =	sle.u32 s30, $0x20;
	_ =	swait.ge @!p0 [sflag:s4], $0x4000  }
0x86: {  	s10 =	simm.s32 @!p4 $0x1F980;
	p2 =	sle.u32 s31, $0x0;
	[sflag:s4] =	ssyncset.done @!p0 $0x0  }
0x87: {  	s5 =	simm.s32 @!p4 $0x0;
	[sflag:s4] =	ssyncadd.s32 @!p0 $0xFFFFC000;
	s4 =	sadd.s32 @!p4 $0xFFFFFE00, s23  }
0x88: {  	[tilespmem:s10], [sflag:$0x3] =	stream.linear.gather @!p4 [hbm4b:s4+s5], $0x80, $0x38;
	[tilespmem:$0x1FA80] =	vst v63  }
0x89: {  	s11 =	simm.s32 @!p4 $0x1B880;
	s12 =	simm.s32 @!p2 $0x2;
	s4 =	sadd.s32 @!p4 $0xFFFF0000, s22  }
0x8a: {  	[tilespmem:s11], [sflag:$0x3] =	stream.linear.gather @!p4 [hbm4b:s4+s5], $0x4000, $0x38;
	[tilespmem:$0x1FA80] =	vst v63  }
0x8b: {  	_ =	swait.ge @!p2 [sflag:s12], $0x80  }
0x8c: {  	[sflag:s12] =	ssyncset.done @!p2 $0x0  }
0x8d: {  	[sflag:s12] =	ssyncadd.s32 @!p2 $0xFFFFFF80  }
0x8e: {  	_ =	swait.ge @!p2 [sflag:s12], $0x4000  }
0x8f: {  	s13 =	simm.s32 @!p2 $0x1F900;
	s4 =	simm.s32 @!p2 $0x17880;
	[sflag:s12] =	ssyncset.done @!p2 $0x0  }
0x90: {  	s5 =	simm.s32 @!p2 $0x80;
	[sflag:s12] =	ssyncadd.s32 @!p2 $0xFFFFC000;
	s12 =	simm.s32 @!p3 $0x4  }
0x91: {  	[spmem:s1] =	stream.indirect.scatter.add.f32 @!p2 [tilespmem:s4], [sflag:$0x5], $0x80, s13, s5, $0xb8;
	[tilespmem:$0x1FA80] =	vst v63  }
0x92: {  	p0 =	sle.u32 s30, $0x30;
	_ =	swait.ge @!p3 [sflag:s12], $0x4000  }
0x93: {  	s4 =	sadd.s32 @!p0 $0xFFFFFF00, s23;
	[sflag:s12] =	ssyncset.done @!p3 $0x0  }
0x94: {  	s5 =	simm.s32 @!p0 $0x0;
	[sflag:s12] =	ssyncadd.s32 @!p3 $0xFFFFC000;
	s12 =	simm.s32 @!p0 $0x1F880  }
0x95: {  	[tilespmem:s12], [sflag:$0x1] =	stream.linear.gather @!p0 [hbm4b:s4+s5], $0x80, $0x38;
	[tilespmem:$0x1FA80] =	vst v63  }
0x96: {  	s13 =	simm.s32 @!p4 $0x3;
	s4 =	simm.s32 @!p0 $0x13880;
	s12 =	sadd.s32 @!p0 $0xFFFF8000, s22  }
0x97: {  	[tilespmem:s4], [sflag:$0x1] =	stream.linear.gather @!p0 [hbm4b:s12+s5], $0x4000, $0x38;
	[tilespmem:$0x1FA80] =	vst v63  }
0x98: {  	_ =	swait.ge @!p4 [sflag:s13], $0x80  }
0x99: {  	[sflag:s13] =	ssyncset.done @!p4 $0x0  }
0x9a: {  	[sflag:s13] =	ssyncadd.s32 @!p4 $0xFFFFFF80  }
0x9b: {  	p5 =	sle.u32 s30, $0x30;
	_ =	swait.ge @!p4 [sflag:s13], $0x4000  }
0x9c: {  	p6 =	sle.u32 s30, $0x40;
	s14 =	simm.s32 $0x60;
	[sflag:s13] =	ssyncset.done @!p4 $0x0  }
0x9d: {  	s4 =	simm.s32 @!p4 $0x80;
	s5 =	simm.s32 @!p2 $0x5;
	[sflag:s13] =	ssyncadd.s32 @!p4 $0xFFFFC000  }
0x9e: {  	[spmem:s1] =	stream.indirect.scatter.add.f32 @!p4 [tilespmem:s11], [sflag:$0x6], $0x80, s10, s4, $0xb8;
	[tilespmem:$0x1FA80] =	vst v63  }
0x9f: {  	s15 =	smov.u32 s22;
	s12 =	sadd.s32 $0x18000, s22;
	_ =	swait.ge @!p2 [sflag:s5], $0x4000  }
0xa0: {  	s13 =	simm.s32 $0x60;
	s10 =	simm.s32 $0x30;
	[sflag:s5] =	ssyncset.done @!p2 $0x0  }
0xa1: {  	s4 =	simm.s32 @!p6 $0x0;
	s11 =	simm.s32 @!p6 $0x1F900;
	[sflag:s5] =	ssyncadd.s32 @!p2 $0xFFFFC000  }
0xa2: {  	[tilespmem:s11], [sflag:$0x2] =	stream.linear.gather @!p6 [hbm4b:s23+s4], $0x80, $0x38;
	[tilespmem:$0x1FA80] =	vst v63  }
0xa3: {  	p2 =	por p5, p5;
	s5 =	simm.s32 @!p6 $0x17880;
	s11 =	sadd.s32 $0x300, s23  }
.LBB2_4:
0xa4: {  	s21 =	simm.s32 @!p2 $0x1  }
0xa5: {  	[tilespmem:s5], [sflag:$0x2] =	stream.linear.gather @!p6 [hbm4b:s15+s4], $0x4000, $0x38;
	[tilespmem:$0x1FA80] =	vst v63  }
0xa6: {  	_ =	swait.ge @!p2 [sflag:s21], $0x80  }
0xa7: {  	[sflag:s21] =	ssyncset.done @!p2 $0x0  }
0xa8: {  	s17 =	smov.u32 s10;
	[sflag:s21] =	ssyncadd.s32 @!p2 $0xFFFFFF80  }
0xa9: {  	s4 =	simm.s32 @!p2 $0x80;
	s24 =	simm.s32 @!p2 $0x13880;
	_ =	swait.ge @!p2 [sflag:s21], $0x4000  }
0xaa: {  	p0 =	seq.s32 s17, $0x0;
	[sflag:s21] =	ssyncset.done @!p2 $0x0;
	s5 =	rddreg [dreg:$0x6]  }
0xab: {  	[sflag:s21] =	ssyncadd.s32 @!p2 $0xFFFFC000;
	s21 =	simm.s32 @!p2 $0x1F880;
	p5 =	sge.u32 @!p0 s17, s5  }
0xac: {  	[spmem:s1] =	stream.indirect.scatter.add.f32 @!p2 [tilespmem:s24], [sflag:$0x4], $0x80, s21, s4, $0xb8;
	[tilespmem:$0x1FA80] =	vst v63  }
0xad: {  	p0 =	por p5, p0  }
0xae: {  	s28 =	sadd.s32 $0x20, s17;
	s4 =	simm.s32 @!p0 $0x6  }
0xaf: {  	p6 =	sge.u32 s28, s30;
	_ =	swait.ge @!p0 [sflag:s4], $0x4000  }
0xb0: {  	s5 =	sadd.s32 @!p6 $0xFFFFFE00, s11;
	p5 =	sge.u32 s17, s31;
	[sflag:s4] =	ssyncset.done @!p0 $0x0  }
0xb1: {  	s21 =	simm.s32 @!p6 $0x0;
	[sflag:s4] =	ssyncadd.s32 @!p0 $0xFFFFC000;
	s4 =	simm.s32 @!p6 $0x1F980  }
0xb2: {  	[tilespmem:s4], [sflag:$0x3] =	stream.linear.gather @!p6 [hbm4b:s5+s21], $0x80, $0x38;
	[tilespmem:$0x1FA80] =	vst v63  }
0xb3: {  	s26 =	simm.s32 @!p6 $0x1B880;
	s24 =	sadd.s32 @!p6 $0xFFFF0000, s12;
	s5 =	simm.s32 @!p5 $0x2  }
0xb4: {  	[tilespmem:s26], [sflag:$0x3] =	stream.linear.gather @!p6 [hbm4b:s24+s21], $0x4000, $0x38;
	[tilespmem:$0x1FA80] =	vst v63  }
0xb5: {  	_ =	swait.ge @!p5 [sflag:s5], $0x80  }
0xb6: {  	[sflag:s5] =	ssyncset.done @!p5 $0x0  }
0xb7: {  	[sflag:s5] =	ssyncadd.s32 @!p5 $0xFFFFFF80  }
0xb8: {  	_ =	swait.ge @!p5 [sflag:s5], $0x4000  }
0xb9: {  	s28 =	simm.s32 @!p5 $0x1F900;
	s21 =	simm.s32 @!p5 $0x17880;
	[sflag:s5] =	ssyncset.done @!p5 $0x0  }
0xba: {  	s24 =	simm.s32 @!p5 $0x80;
	[sflag:s5] =	ssyncadd.s32 @!p5 $0xFFFFC000;
	s5 =	simm.s32 @!p2 $0x4  }
0xbb: {  	[spmem:s1] =	stream.indirect.scatter.add.f32 @!p5 [tilespmem:s21], [sflag:$0x5], $0x80, s28, s24, $0xb8;
	[tilespmem:$0x1FA80] =	vst v63  }
0xbc: {  	p0 =	sge.u32 s13, s30;
	_ =	swait.ge @!p2 [sflag:s5], $0x4000  }
0xbd: {  	s21 =	sadd.s32 @!p0 $0xFFFFFF00, s11;
	[sflag:s5] =	ssyncset.done @!p2 $0x0  }
0xbe: {  	s28 =	simm.s32 @!p0 $0x1F880;
	[sflag:s5] =	ssyncadd.s32 @!p2 $0xFFFFC000;
	s5 =	simm.s32 @!p0 $0x0  }
0xbf: {  	[tilespmem:s28], [sflag:$0x1] =	stream.linear.gather @!p0 [hbm4b:s21+s5], $0x80, $0x38;
	[tilespmem:$0x1FA80] =	vst v63  }
0xc0: {  	s24 =	simm.s32 @!p0 $0x13880;
	s21 =	sadd.s32 @!p0 $0xFFFF8000, s12;
	s28 =	simm.s32 @!p6 $0x3  }
0xc1: {  	[tilespmem:s24], [sflag:$0x1] =	stream.linear.gather @!p0 [hbm4b:s21+s5], $0x4000, $0x38;
	[tilespmem:$0x1FA80] =	vst v63  }
0xc2: {  	_ =	swait.ge @!p6 [sflag:s28], $0x80  }
0xc3: {  	p4 =	sge.u32 s14, s30;
	[sflag:s28] =	ssyncset.done @!p6 $0x0  }
0xc4: {  	s10 =	smov.u32 s14;
	s14 =	sadd.s32 $0x30, s14;
	[sflag:s28] =	ssyncadd.s32 @!p6 $0xFFFFFF80  }
0xc5: {  	s16 =	smov.u32 s11;
	s15 =	smov.u32 s12;
	_ =	swait.ge @!p6 [sflag:s28], $0x4000  }
0xc6: {  	p3 =	sne.s32 s14, $0x540;
	s17 =	sadd.s32 $0x40, s17;
	[sflag:s28] =	ssyncset.done @!p6 $0x0  }
0xc7: {  	s13 =	smov.u32 s14;
	s5 =	simm.s32 @!p6 $0x80;
	[sflag:s28] =	ssyncadd.s32 @!p6 $0xFFFFC000  }
0xc8: {  	[spmem:s1] =	stream.indirect.scatter.add.f32 @!p6 [tilespmem:s26], [sflag:$0x6], $0x80, s4, s5, $0xb8;
	[tilespmem:$0x1FA80] =	vst v63  }
.Ltmp3:
0xc9: {  	s11 =	sadd.s32 $0x300, s11;
	s21 =	simm.s32 @!p5 $0x5;
	(pc) =	sbr.rel @p3 .LBB2_4-.Ltmp3, $4  }
0xca: {  	p2 =	por p4, p4;
	p6 =	sge.u32 s17, s30;
	_ =	swait.ge @!p5 [sflag:s21], $0x4000  }
0xcb: {  	s12 =	sadd.s32 $0x18000, s12;
	s4 =	simm.s32 @!p6 $0x0;
	[sflag:s21] =	ssyncset.done @!p5 $0x0  }
0xcc: {  	s17 =	simm.s32 @!p6 $0x1F900;
	s5 =	simm.s32 @!p6 $0x17880;
	[sflag:s21] =	ssyncadd.s32 @!p5 $0xFFFFC000  }
0xcd: {  	[tilespmem:s17], [sflag:$0x2] =	stream.linear.gather @!p6 [hbm4b:s16+s4], $0x80, $0x38;
	[tilespmem:$0x1FA80] =	vst v63  }
0xce: {  	s14 =	simm.s32 @!p2 $0x1  }
0xcf: {  	[tilespmem:s5], [sflag:$0x2] =	stream.linear.gather @!p6 [hbm4b:s15+s4], $0x4000, $0x38;
	[tilespmem:$0x1FA80] =	vst v63  }
0xd0: {  	_ =	swait.ge @!p2 [sflag:s14], $0x80  }
0xd1: {  	[sflag:s14] =	ssyncset.done @!p2 $0x0  }
0xd2: {  	[sflag:s14] =	ssyncadd.s32 @!p2 $0xFFFFFF80  }
0xd3: {  	s4 =	simm.s32 @!p2 $0x80;
	p0 =	seq.s32 s10, $0x0;
	_ =	swait.ge @!p2 [sflag:s14], $0x4000  }
0xd4: {  	s15 =	simm.s32 @!p2 $0x13880;
	[sflag:s14] =	ssyncset.done @!p2 $0x0;
	s5 =	rddreg [dreg:$0x6]  }
0xd5: {  	[sflag:s14] =	ssyncadd.s32 @!p2 $0xFFFFC000;
	s14 =	simm.s32 @!p2 $0x1F880;
	p3 =	sge.u32 @!p0 s10, s5  }
0xd6: {  	[spmem:s1] =	stream.indirect.scatter.add.f32 @!p2 [tilespmem:s15], [sflag:$0x4], $0x80, s14, s4, $0xb8;
	[tilespmem:$0x1FA80] =	vst v63  }
0xd7: {  	p0 =	por p3, p0  }
0xd8: {  	s3 =	sadd.s32 $0x20, s10;
	s4 =	simm.s32 @!p0 $0x6  }
0xd9: {  	p4 =	sge.u32 s3, s30;
	_ =	swait.ge @!p0 [sflag:s4], $0x4000  }
0xda: {  	s5 =	simm.s32 @!p4 $0x0;
	p3 =	sge.u32 s10, s31;
	[sflag:s4] =	ssyncset.done @!p0 $0x0  }
0xdb: {  	s14 =	simm.s32 @!p4 $0x1F980;
	[sflag:s4] =	ssyncadd.s32 @!p0 $0xFFFFC000;
	s4 =	sadd.s32 @!p4 $0xFFFFFE00, s11  }
0xdc: {  	[tilespmem:s14], [sflag:$0x3] =	stream.linear.gather @!p4 [hbm4b:s4+s5], $0x80, $0x38;
	[tilespmem:$0x1FA80] =	vst v63  }
0xdd: {  	s15 =	simm.s32 @!p4 $0x1B880;
	s16 =	simm.s32 @!p3 $0x2;
	s4 =	sadd.s32 @!p4 $0xFFFF0000, s12  }
0xde: {  	[tilespmem:s15], [sflag:$0x3] =	stream.linear.gather @!p4 [hbm4b:s4+s5], $0x4000, $0x38;
	[tilespmem:$0x1FA80] =	vst v63  }
0xdf: {  	_ =	swait.ge @!p3 [sflag:s16], $0x80  }
0xe0: {  	[sflag:s16] =	ssyncset.done @!p3 $0x0  }
0xe1: {  	[sflag:s16] =	ssyncadd.s32 @!p3 $0xFFFFFF80  }
0xe2: {  	_ =	swait.ge @!p3 [sflag:s16], $0x4000  }
0xe3: {  	s17 =	simm.s32 @!p3 $0x1F900;
	s4 =	simm.s32 @!p3 $0x17880;
	[sflag:s16] =	ssyncset.done @!p3 $0x0  }
0xe4: {  	s5 =	simm.s32 @!p3 $0x80;
	[sflag:s16] =	ssyncadd.s32 @!p3 $0xFFFFC000;
	s16 =	simm.s32 @!p2 $0x4  }
0xe5: {  	[spmem:s1] =	stream.indirect.scatter.add.f32 @!p3 [tilespmem:s4], [sflag:$0x5], $0x80, s17, s5, $0xb8;
	[tilespmem:$0x1FA80] =	vst v63  }
0xe6: {  	p0 =	sge.u32 s13, s30;
	_ =	swait.ge @!p2 [sflag:s16], $0x4000  }
0xe7: {  	s13 =	simm.s32 @!p0 $0x1F880;
	[sflag:s16] =	ssyncset.done @!p2 $0x0  }
0xe8: {  	s4 =	sadd.s32 @!p0 $0xFFFFFF00, s11;
	s5 =	simm.s32 @!p0 $0x0;
	[sflag:s16] =	ssyncadd.s32 @!p2 $0xFFFFC000  }
0xe9: {  	[tilespmem:s13], [sflag:$0x1] =	stream.linear.gather @!p0 [hbm4b:s4+s5], $0x80, $0x38;
	[tilespmem:$0x1FA80] =	vst v63  }
0xea: {  	s16 =	simm.s32 @!p4 $0x3;
	s4 =	simm.s32 @!p0 $0x13880;
	s13 =	sadd.s32 @!p0 $0xFFFF8000, s12  }
0xeb: {  	[tilespmem:s4], [sflag:$0x1] =	stream.linear.gather @!p0 [hbm4b:s13+s5], $0x4000, $0x38;
	[tilespmem:$0x1FA80] =	vst v63  }
0xec: {  	_ =	swait.ge @!p4 [sflag:s16], $0x80  }
0xed: {  	[sflag:s16] =	ssyncset.done @!p4 $0x0  }
0xee: {  	[sflag:s16] =	ssyncadd.s32 @!p4 $0xFFFFFF80  }
0xef: {  	_ =	swait.ge @!p4 [sflag:s16], $0x4000  }
0xf0: {  	[sflag:s16] =	ssyncset.done @!p4 $0x0  }
0xf1: {  	s4 =	simm.s32 @!p4 $0x80;
	s5 =	simm.s32 @!p3 $0x5;
	[sflag:s16] =	ssyncadd.s32 @!p4 $0xFFFFC000  }
0xf2: {  	[spmem:s1] =	stream.indirect.scatter.add.f32 @!p4 [tilespmem:s15], [sflag:$0x6], $0x80, s14, s4, $0xb8;
	[tilespmem:$0x1FA80] =	vst v63  }
0xf3: {  	s13 =	sadd.s32 $0x40, s10;
	_ =	swait.ge @!p3 [sflag:s5], $0x4000  }
0xf4: {  	p0 =	sge.u32 s13, s30;
	[sflag:s5] =	ssyncset.done @!p3 $0x0  }
0xf5: {  	s10 =	simm.s32 @!p0 $0x1F900;
	s4 =	simm.s32 @!p0 $0x0;
	[sflag:s5] =	ssyncadd.s32 @!p3 $0xFFFFC000  }
0xf6: {  	[tilespmem:s10], [sflag:$0x2] =	stream.linear.gather @!p0 [hbm4b:s11+s4], $0x80, $0x38;
	[tilespmem:$0x1FA80] =	vst v63  }
0xf7: {  	s5 =	simm.s32 @!p0 $0x17880  }
0xf8: {  	[tilespmem:s5], [sflag:$0x2] =	stream.linear.gather @!p0 [hbm4b:s12+s4], $0x4000, $0x38;
	[tilespmem:$0x1FA80] =	vst v63  }
0xf9: {  	[bflag:$0x0] =	sbarrier.arrive $0xFFFF  }
0xfa: {  	s3 =	rddreg [dreg:$0x10]  }
0xfb: {  	s14 =	simm.s32 $0x1F880;
	s15 =	rddreg [dreg:$0x14]  }
0xfc: {  	[tilespmem:s14], [sflag:$0x1] =	stream.linear.gather [hbm4b:s3+s2], $0x80, $0x38;
	[tilespmem:$0x1FA80] =	vst v63  }
0xfd: {  	s24 =	stileid.u32;
	s16 =	simm.s32 $0x13880;
	s17 =	rddreg [dreg:$0x11]  }
0xfe: {  	[tilespmem:s16], [sflag:$0x1] =	stream.linear.gather [hbm4b:s15+s2], $0x4000, $0x38;
	[tilespmem:$0x1FA80] =	vst v63  }
0xff: {  	s26 =	sshll.u32 s24, $0x6;
	s21 =	rddreg [dreg:$0x15]  }
0x100: {  	[tilespmem:s6], [sflag:$0x2] =	stream.linear.gather [hbm4b:s17+s2], $0x80, $0x38;
	[tilespmem:$0x1FA80] =	vst v63  }
0x101: {  	s10 =	sor.u32 $0x1C07, s26;
	s11 =	sshrl.u32 s8, $0x3;
	s28 =	rddreg [dreg:$0xc]  }
0x102: {  	[tilespmem:s29], [sflag:$0x2] =	stream.linear.gather [hbm4b:s21+s2], $0x4000, $0x38;
	[tilespmem:$0x1FA80] =	vst v63  }
0x103: {  	[hbm:s28], [sflag:s10] =	dma.local [spmem:s11], $0x2700  }
0x104: {  	_ =	swait.ge [sflag:s7], $0x2700  }
0x105: {  	s12 =	sshrl.u32 @!p1 s20, $0x3;
	[sflag:s7] =	ssyncset.done $0x0  }
0x106: {  	s4 =	simm.s32 @!p1 $0x7;
	s3 =	rddreg [dreg:$0xd];
	[sflag:s7] =	ssyncadd.s32 $0xFFFFD900  }
0x107: {  	[hbm:s3], [sflag:s10] =	dma.local @!p1 [spmem:s12], $0x100  }
0x108: {  	_ =	swait.ge @!p1 [sflag:s4], $0x100  }
0x109: {  	p4 =	sle.u32 s0, $0x0;
	[sflag:s4] =	ssyncset.done @!p1 $0x0  }
0x10a: {  	p3 =	por p4, p4;
	[sflag:s4] =	ssyncadd.s32 @!p1 $0xFFFFFF00  }
0x10b: {  	s4 =	simm.s32 @!p3 $0x1;
	[bflag:$0x0] =	sbarrier.arrive $0xFFFF  }
0x10c: {  	_ =	swait.ge @!p3 [sflag:s4], $0x80  }
0x10d: {  	[sflag:s4] =	ssyncset.done @!p3 $0x0  }
0x10e: {  	[sflag:s4] =	ssyncadd.s32 @!p3 $0xFFFFFF80  }
0x10f: {  	s5 =	simm.s32 @!p3 $0x80;
	p0 =	por $0x1, $0x1;
	_ =	swait.ge @!p3 [sflag:s4], $0x4000  }
0x110: {  	s14 =	simm.s32 @!p3 $0x13880;
	[sflag:s4] =	ssyncset.done @!p3 $0x0;
	s13 =	rddreg [dreg:$0x7]  }
0x111: {  	[sflag:s4] =	ssyncadd.s32 @!p3 $0xFFFFC000;
	s4 =	simm.s32 @!p3 $0x1F880;
	p2 =	sle.u32 @!p0 s13, $0x0  }
0x112: {  	[spmem:s1] =	stream.indirect.scatter.add.f32 @!p3 [tilespmem:s14], [sflag:$0x4], $0x80, s4, s5, $0xb8;
	[tilespmem:$0x1FA80] =	vst v63  }
0x113: {  	p0 =	por p2, p0  }
0x114: {  	s4 =	simm.s32 @!p0 $0x6  }
0x115: {  	p4 =	sle.u32 s0, $0x20;
	_ =	swait.ge @!p0 [sflag:s4], $0x4000  }
0x116: {  	s13 =	simm.s32 @!p4 $0x1F980;
	p2 =	sle.u32 s19, $0x0;
	[sflag:s4] =	ssyncset.done @!p0 $0x0  }
0x117: {  	s5 =	simm.s32 @!p4 $0x0;
	[sflag:s4] =	ssyncadd.s32 @!p0 $0xFFFFC000;
	s4 =	sadd.s32 @!p4 $0xFFFFFE00, s25  }
0x118: {  	[tilespmem:s13], [sflag:$0x3] =	stream.linear.gather @!p4 [hbm4b:s4+s5], $0x80, $0x38;
	[tilespmem:$0x1FA80] =	vst v63  }
0x119: {  	s14 =	simm.s32 @!p4 $0x1B880;
	s15 =	simm.s32 @!p2 $0x2;
	s4 =	sadd.s32 @!p4 $0xFFFF0000, s18  }
0x11a: {  	[tilespmem:s14], [sflag:$0x3] =	stream.linear.gather @!p4 [hbm4b:s4+s5], $0x4000, $0x38;
	[tilespmem:$0x1FA80] =	vst v63  }
0x11b: {  	_ =	swait.ge @!p2 [sflag:s15], $0x80  }
0x11c: {  	[sflag:s15] =	ssyncset.done @!p2 $0x0  }
0x11d: {  	[sflag:s15] =	ssyncadd.s32 @!p2 $0xFFFFFF80  }
0x11e: {  	_ =	swait.ge @!p2 [sflag:s15], $0x4000  }
0x11f: {  	s16 =	simm.s32 @!p2 $0x1F900;
	s4 =	simm.s32 @!p2 $0x17880;
	[sflag:s15] =	ssyncset.done @!p2 $0x0  }
0x120: {  	s5 =	simm.s32 @!p2 $0x80;
	[sflag:s15] =	ssyncadd.s32 @!p2 $0xFFFFC000;
	s15 =	simm.s32 @!p3 $0x4  }
0x121: {  	[spmem:s1] =	stream.indirect.scatter.add.f32 @!p2 [tilespmem:s4], [sflag:$0x5], $0x80, s16, s5, $0xb8;
	[tilespmem:$0x1FA80] =	vst v63  }
0x122: {  	p0 =	sle.u32 s0, $0x30;
	_ =	swait.ge @!p3 [sflag:s15], $0x4000  }
0x123: {  	s4 =	sadd.s32 @!p0 $0xFFFFFF00, s25;
	[sflag:s15] =	ssyncset.done @!p3 $0x0  }
0x124: {  	s5 =	simm.s32 @!p0 $0x0;
	[sflag:s15] =	ssyncadd.s32 @!p3 $0xFFFFC000;
	s15 =	simm.s32 @!p0 $0x1F880  }
0x125: {  	[tilespmem:s15], [sflag:$0x1] =	stream.linear.gather @!p0 [hbm4b:s4+s5], $0x80, $0x38;
	[tilespmem:$0x1FA80] =	vst v63  }
0x126: {  	s16 =	simm.s32 @!p4 $0x3;
	s4 =	simm.s32 @!p0 $0x13880;
	s15 =	sadd.s32 @!p0 $0xFFFF8000, s18  }
0x127: {  	[tilespmem:s4], [sflag:$0x1] =	stream.linear.gather @!p0 [hbm4b:s15+s5], $0x4000, $0x38;
	[tilespmem:$0x1FA80] =	vst v63  }
0x128: {  	_ =	swait.ge @!p4 [sflag:s16], $0x80  }
0x129: {  	p5 =	sle.u32 s0, $0x30;
	p6 =	sle.u32 s0, $0x40;
	[sflag:s16] =	ssyncset.done @!p4 $0x0  }
0x12a: {  	s24 =	smov.u32 s18;
	s26 =	simm.s32 @!p6 $0x17880;
	[sflag:s16] =	ssyncadd.s32 @!p4 $0xFFFFFF80  }
0x12b: {  	s6 =	smov.u32 s20;
	s17 =	simm.s32 $0x60;
	_ =	swait.ge @!p4 [sflag:s16], $0x4000  }
0x12c: {  	s29 =	smov.u32 s8;
	s4 =	simm.s32 @!p4 $0x80;
	[sflag:s16] =	ssyncset.done @!p4 $0x0  }
0x12d: {  	s15 =	simm.s32 @!p2 $0x5;
	s5 =	simm.s32 @!p6 $0x0;
	[sflag:s16] =	ssyncadd.s32 @!p4 $0xFFFFC000  }
0x12e: {  	[spmem:s1] =	stream.indirect.scatter.add.f32 @!p4 [tilespmem:s14], [sflag:$0x6], $0x80, s13, s4, $0xb8;
	[tilespmem:$0x1FA80] =	vst v63  }
0x12f: {  	s16 =	simm.s32 $0x60;
	s13 =	simm.s32 $0x30;
	_ =	swait.ge @!p2 [sflag:s15], $0x4000  }
0x130: {  	s4 =	simm.s32 @!p6 $0x1F900;
	s14 =	sadd.s32 $0x300, s25;
	[sflag:s15] =	ssyncset.done @!p2 $0x0  }
0x131: {  	[sflag:s15] =	ssyncadd.s32 @!p2 $0xFFFFC000;
	p2 =	por p5, p5;
	s15 =	sadd.s32 $0x18000, s18  }
0x132: {  	[tilespmem:s4], [sflag:$0x2] =	stream.linear.gather @!p6 [hbm4b:s25+s5], $0x80, $0x38;
	[tilespmem:$0x1FA80] =	vst v63  }
.LBB2_6:
0x133: {  	s28 =	simm.s32 @!p2 $0x1  }
0x134: {  	[tilespmem:s26], [sflag:$0x2] =	stream.linear.gather @!p6 [hbm4b:s24+s5], $0x4000, $0x38;
	[tilespmem:$0x1FA80] =	vst v63  }
0x135: {  	_ =	swait.ge @!p2 [sflag:s28], $0x80  }
0x136: {  	[sflag:s28] =	ssyncset.done @!p2 $0x0  }
0x137: {  	s4 =	smov.u32 s13;
	[sflag:s28] =	ssyncadd.s32 @!p2 $0xFFFFFF80  }
0x138: {  	s5 =	simm.s32 @!p2 $0x80;
	s20 =	simm.s32 @!p2 $0x13880;
	_ =	swait.ge @!p2 [sflag:s28], $0x4000  }
0x139: {  	p0 =	seq.s32 s4, $0x0;
	[sflag:s28] =	ssyncset.done @!p2 $0x0;
	s26 =	rddreg [dreg:$0x7]  }
0x13a: {  	[sflag:s28] =	ssyncadd.s32 @!p2 $0xFFFFC000;
	s28 =	simm.s32 @!p2 $0x1F880;
	p5 =	sge.u32 @!p0 s4, s26  }
0x13b: {  	[spmem:s1] =	stream.indirect.scatter.add.f32 @!p2 [tilespmem:s20], [sflag:$0x4], $0x80, s28, s5, $0xb8;
	[tilespmem:$0x1FA80] =	vst v63  }
0x13c: {  	p0 =	por p5, p0  }
0x13d: {  	s28 =	sadd.s32 $0x20, s4;
	s5 =	simm.s32 @!p0 $0x6  }
0x13e: {  	p6 =	sge.u32 s28, s0;
	_ =	swait.ge @!p0 [sflag:s5], $0x4000  }
0x13f: {  	p5 =	sge.u32 s4, s19;
	s20 =	sadd.s32 @!p6 $0xFFFFFE00, s14;
	[sflag:s5] =	ssyncset.done @!p0 $0x0  }
0x140: {  	s26 =	simm.s32 @!p6 $0x0;
	[sflag:s5] =	ssyncadd.s32 @!p0 $0xFFFFC000;
	s5 =	simm.s32 @!p6 $0x1F980  }
0x141: {  	[tilespmem:s5], [sflag:$0x3] =	stream.linear.gather @!p6 [hbm4b:s20+s26], $0x80, $0x38;
	[tilespmem:$0x1FA80] =	vst v63  }
0x142: {  	s28 =	sadd.s32 @!p6 $0xFFFF0000, s15;
	s3 =	simm.s32 @!p6 $0x1B880;
	s20 =	simm.s32 @!p5 $0x2  }
0x143: {  	[tilespmem:s3], [sflag:$0x3] =	stream.linear.gather @!p6 [hbm4b:s28+s26], $0x4000, $0x38;
	[tilespmem:$0x1FA80] =	vst v63  }
0x144: {  	_ =	swait.ge @!p5 [sflag:s20], $0x80  }
0x145: {  	[sflag:s20] =	ssyncset.done @!p5 $0x0  }
0x146: {  	[sflag:s20] =	ssyncadd.s32 @!p5 $0xFFFFFF80  }
0x147: {  	_ =	swait.ge @!p5 [sflag:s20], $0x4000  }
0x148: {  	s8 =	simm.s32 @!p5 $0x1F900;
	s26 =	simm.s32 @!p5 $0x17880;
	[sflag:s20] =	ssyncset.done @!p5 $0x0  }
0x149: {  	s28 =	simm.s32 @!p5 $0x80;
	[sflag:s20] =	ssyncadd.s32 @!p5 $0xFFFFC000;
	s20 =	simm.s32 @!p2 $0x4  }
0x14a: {  	[spmem:s1] =	stream.indirect.scatter.add.f32 @!p5 [tilespmem:s26], [sflag:$0x5], $0x80, s8, s28, $0xb8;
	[tilespmem:$0x1FA80] =	vst v63  }
0x14b: {  	p0 =	sge.u32 s16, s0;
	_ =	swait.ge @!p2 [sflag:s20], $0x4000  }
0x14c: {  	s8 =	sadd.s32 @!p0 $0xFFFFFF00, s14;
	[sflag:s20] =	ssyncset.done @!p2 $0x0  }
0x14d: {  	s28 =	simm.s32 @!p0 $0x1F880;
	[sflag:s20] =	ssyncadd.s32 @!p2 $0xFFFFC000;
	s20 =	simm.s32 @!p0 $0x0  }
0x14e: {  	[tilespmem:s28], [sflag:$0x1] =	stream.linear.gather @!p0 [hbm4b:s8+s20], $0x80, $0x38;
	[tilespmem:$0x1FA80] =	vst v63  }
0x14f: {  	s26 =	simm.s32 @!p0 $0x13880;
	s8 =	sadd.s32 @!p0 $0xFFFF8000, s15;
	s28 =	simm.s32 @!p6 $0x3  }
0x150: {  	[tilespmem:s26], [sflag:$0x1] =	stream.linear.gather @!p0 [hbm4b:s8+s20], $0x4000, $0x38;
	[tilespmem:$0x1FA80] =	vst v63  }
0x151: {  	_ =	swait.ge @!p6 [sflag:s28], $0x80  }
0x152: {  	p4 =	sge.u32 s17, s0;
	[sflag:s28] =	ssyncset.done @!p6 $0x0  }
0x153: {  	s13 =	smov.u32 s17;
	s17 =	sadd.s32 $0x30, s17;
	[sflag:s28] =	ssyncadd.s32 @!p6 $0xFFFFFF80  }
0x154: {  	s21 =	smov.u32 s14;
	s24 =	smov.u32 s15;
	_ =	swait.ge @!p6 [sflag:s28], $0x4000  }
0x155: {  	p3 =	sne.s32 s17, $0xF0;
	s4 =	sadd.s32 $0x40, s4;
	[sflag:s28] =	ssyncset.done @!p6 $0x0  }
0x156: {  	s16 =	smov.u32 s17;
	s8 =	simm.s32 @!p6 $0x80;
	[sflag:s28] =	ssyncadd.s32 @!p6 $0xFFFFC000  }
0x157: {  	[spmem:s1] =	stream.indirect.scatter.add.f32 @!p6 [tilespmem:s3], [sflag:$0x6], $0x80, s5, s8, $0xb8;
	[tilespmem:$0x1FA80] =	vst v63  }
.Ltmp4:
0x158: {  	s14 =	sadd.s32 $0x300, s14;
	s20 =	simm.s32 @!p5 $0x5;
	(pc) =	sbr.rel @p3 .LBB2_6-.Ltmp4, $4  }
0x159: {  	p2 =	por p4, p4;
	p6 =	sge.u32 s4, s0;
	_ =	swait.ge @!p5 [sflag:s20], $0x4000  }
0x15a: {  	s15 =	sadd.s32 $0x18000, s15;
	s5 =	simm.s32 @!p6 $0x0;
	[sflag:s20] =	ssyncset.done @!p5 $0x0  }
0x15b: {  	s3 =	simm.s32 @!p6 $0x1F900;
	s26 =	simm.s32 @!p6 $0x17880;
	[sflag:s20] =	ssyncadd.s32 @!p5 $0xFFFFC000  }
0x15c: {  	[tilespmem:s3], [sflag:$0x2] =	stream.linear.gather @!p6 [hbm4b:s21+s5], $0x80, $0x38;
	[tilespmem:$0x1FA80] =	vst v63  }
0x15d: {  	s3 =	simm.s32 @!p2 $0x1  }
0x15e: {  	[tilespmem:s26], [sflag:$0x2] =	stream.linear.gather @!p6 [hbm4b:s24+s5], $0x4000, $0x38;
	[tilespmem:$0x1FA80] =	vst v63  }
0x15f: {  	_ =	swait.ge @!p2 [sflag:s3], $0x80  }
0x160: {  	[sflag:s3] =	ssyncset.done @!p2 $0x0  }
0x161: {  	[sflag:s3] =	ssyncadd.s32 @!p2 $0xFFFFFF80  }
0x162: {  	s4 =	simm.s32 @!p2 $0x80;
	p0 =	seq.s32 s13, $0x0;
	_ =	swait.ge @!p2 [sflag:s3], $0x4000  }
0x163: {  	s8 =	simm.s32 @!p2 $0x13880;
	[sflag:s3] =	ssyncset.done @!p2 $0x0;
	s5 =	rddreg [dreg:$0x7]  }
0x164: {  	[sflag:s3] =	ssyncadd.s32 @!p2 $0xFFFFC000;
	s3 =	simm.s32 @!p2 $0x1F880;
	p3 =	sge.u32 @!p0 s13, s5  }
0x165: {  	[spmem:s1] =	stream.indirect.scatter.add.f32 @!p2 [tilespmem:s8], [sflag:$0x4], $0x80, s3, s4, $0xb8;
	[tilespmem:$0x1FA80] =	vst v63  }
0x166: {  	p0 =	por p3, p0  }
0x167: {  	s24 =	sadd.s32 $0x20, s13;
	s3 =	simm.s32 @!p0 $0x6  }
0x168: {  	p4 =	sge.u32 s24, s0;
	_ =	swait.ge @!p0 [sflag:s3], $0x4000  }
0x169: {  	s5 =	simm.s32 @!p4 $0x1F980;
	p3 =	sge.u32 s13, s19;
	[sflag:s3] =	ssyncset.done @!p0 $0x0  }
0x16a: {  	s4 =	simm.s32 @!p4 $0x0;
	[sflag:s3] =	ssyncadd.s32 @!p0 $0xFFFFC000;
	s3 =	sadd.s32 @!p4 $0xFFFFFE00, s14  }
0x16b: {  	[tilespmem:s5], [sflag:$0x3] =	stream.linear.gather @!p4 [hbm4b:s3+s4], $0x80, $0x38;
	[tilespmem:$0x1FA80] =	vst v63  }
0x16c: {  	s8 =	simm.s32 @!p4 $0x1B880;
	s17 =	simm.s32 @!p3 $0x2;
	s3 =	sadd.s32 @!p4 $0xFFFF0000, s15  }
0x16d: {  	[tilespmem:s8], [sflag:$0x3] =	stream.linear.gather @!p4 [hbm4b:s3+s4], $0x4000, $0x38;
	[tilespmem:$0x1FA80] =	vst v63  }
0x16e: {  	_ =	swait.ge @!p3 [sflag:s17], $0x80  }
0x16f: {  	[sflag:s17] =	ssyncset.done @!p3 $0x0  }
0x170: {  	[sflag:s17] =	ssyncadd.s32 @!p3 $0xFFFFFF80  }
0x171: {  	_ =	swait.ge @!p3 [sflag:s17], $0x4000  }
0x172: {  	s20 =	simm.s32 @!p3 $0x1F900;
	s3 =	simm.s32 @!p3 $0x17880;
	[sflag:s17] =	ssyncset.done @!p3 $0x0  }
0x173: {  	s4 =	simm.s32 @!p3 $0x80;
	[sflag:s17] =	ssyncadd.s32 @!p3 $0xFFFFC000;
	s17 =	simm.s32 @!p2 $0x4  }
0x174: {  	[spmem:s1] =	stream.indirect.scatter.add.f32 @!p3 [tilespmem:s3], [sflag:$0x5], $0x80, s20, s4, $0xb8;
	[tilespmem:$0x1FA80] =	vst v63  }
0x175: {  	p0 =	sge.u32 s16, s0;
	_ =	swait.ge @!p2 [sflag:s17], $0x4000  }
0x176: {  	s16 =	simm.s32 @!p0 $0x1F880;
	[sflag:s17] =	ssyncset.done @!p2 $0x0  }
0x177: {  	s3 =	sadd.s32 @!p0 $0xFFFFFF00, s14;
	s4 =	simm.s32 @!p0 $0x0;
	[sflag:s17] =	ssyncadd.s32 @!p2 $0xFFFFC000  }
0x178: {  	[tilespmem:s16], [sflag:$0x1] =	stream.linear.gather @!p0 [hbm4b:s3+s4], $0x80, $0x38;
	[tilespmem:$0x1FA80] =	vst v63  }
0x179: {  	s17 =	simm.s32 @!p4 $0x3;
	s3 =	simm.s32 @!p0 $0x13880;
	s16 =	sadd.s32 @!p0 $0xFFFF8000, s15  }
0x17a: {  	[tilespmem:s3], [sflag:$0x1] =	stream.linear.gather @!p0 [hbm4b:s16+s4], $0x4000, $0x38;
	[tilespmem:$0x1FA80] =	vst v63  }
0x17b: {  	_ =	swait.ge @!p4 [sflag:s17], $0x80  }
0x17c: {  	[sflag:s17] =	ssyncset.done @!p4 $0x0  }
0x17d: {  	[sflag:s17] =	ssyncadd.s32 @!p4 $0xFFFFFF80  }
0x17e: {  	_ =	swait.ge @!p4 [sflag:s17], $0x4000  }
0x17f: {  	s26 =	sadd.s32 $0x40, s13;
	[sflag:s17] =	ssyncset.done @!p4 $0x0  }
0x180: {  	s3 =	simm.s32 @!p4 $0x80;
	s4 =	simm.s32 @!p3 $0x5;
	[sflag:s17] =	ssyncadd.s32 @!p4 $0xFFFFC000  }
0x181: {  	[spmem:s1] =	stream.indirect.scatter.add.f32 @!p4 [tilespmem:s8], [sflag:$0x6], $0x80, s5, s3, $0xb8;
	[tilespmem:$0x1FA80] =	vst v63  }
0x182: {  	p0 =	sge.u32 s26, s0;
	_ =	swait.ge @!p3 [sflag:s4], $0x4000  }
0x183: {  	s3 =	simm.s32 @!p0 $0x0;
	[sflag:s4] =	ssyncset.done @!p3 $0x0  }
0x184: {  	s5 =	simm.s32 @!p0 $0x1F900;
	s28 =	sld [smem:$0x7FD];
	[sflag:s4] =	ssyncadd.s32 @!p3 $0xFFFFC000  }
0x185: {  	[tilespmem:s5], [sflag:$0x2] =	stream.linear.gather @!p0 [hbm4b:s14+s3], $0x80, $0x38;
	[tilespmem:$0x1FA80] =	vst v63  }
0x186: {  	s4 =	simm.s32 @!p0 $0x17880  }
0x187: {  	[tilespmem:s4], [sflag:$0x2] =	stream.linear.gather @!p0 [hbm4b:s15+s3], $0x4000, $0x38;
	[tilespmem:$0x1FA80] =	vst v63  }
0x188: {  	p0 =	seq.s32 s28, $0x1  }
.Ltmp5:
0x189: {  	_ = 	snop;
	(pc) =	sbr.rel @p0 .LBB2_11-.Ltmp5, $1  }
0x18a: {  	_ =	sdelay $0x3  }
0x18b: {  	[tilespmem:$0x1F8C0] =	vst v1  }
0x18c: {  	[tilespmem:$0x1F8D0] =	vst v1  }
0x18d: {  	[tilespmem:$0x1F8E0] =	vst v1  }
0x18e: {  	[tilespmem:$0x1F8F0] =	vst v1;
	s3 =	simm.s32 $0x0;
	s4 =	rddreg [dreg:$0x16];
	s5 =	simm.s32 $0x1F880  }
0x18f: {  	[tilespmem:s5], [sflag:$0x7] =	stream.linear.gather [hbm4b:s4+s3], $0x40, $0x38;
	[tilespmem:$0x1FA80] =	vst v63  }
0x190: {  	_ =	swait.ge [sflag:s7], $0x40  }
0x191: {  	[sflag:s7] =	ssyncset.done $0x0  }
0x192: {  	s4 =	simm.s32 $0x0;
	s5 =	simm.s32 $0x200;
	[sflag:s7] =	ssyncadd.s32 $0xFFFFFFC0  }
.LBB2_9:
0x193: {  	p2 =	sne.s32 s5, $0xFE00;
	[tilespmem:s4+$0x138F0] =	vst v0  }
0x194: {  	[tilespmem:s4+$0x13880] =	vst v0  }
0x195: {  	[tilespmem:s4+$0x13890] =	vst v0  }
.Ltmp6:
0x196: {  	[tilespmem:s4+$0x138A0] =	vst v0;
	(pc) =	sbr.rel @p2 .LBB2_9-.Ltmp6, $4  }
0x197: {  	[tilespmem:s4+$0x138B0] =	vst v0  }
0x198: {  	[tilespmem:s4+$0x138C0] =	vst v0  }
0x199: {  	[tilespmem:s4+$0x138D0] =	vst v0  }
0x19a: {  	[tilespmem:s4+$0x138E0] =	vst v0;
	s4 =	sshra.s32 s5, $0x2;
	s5 =	sadd.s32 $0x200, s5  }
.Ltmp7:
0x19b: {  	_ = 	snop;
	(pc) =	sbr.rel .LBB2_10-.Ltmp7, $1  }
0x19c: {  	_ =	sdelay $0x3  }
.LBB2_12:
0x19d: {  	_ =	sfence.sel $0x180000  }
0x19e: {  	[bflag:$0x0] =	sbarrier.arrive $0xFFFF  }
0x19f: {  	_ =	strace $0x90000047  }
0x1a0: {  	s0 =	stileid.u32;
	[bflag:$0x2] =	sbarrier.arrive $0xFFFF  }
0x1a1: {  	p0 =	sne.s32 s0, $0x0;
	s0 =	rddreg [dreg:$0x5]  }
0x1a2: {  	s0 =	sadd.s32 @!p0 $0x100000, s0  }
0x1a3: {  	[sflag:s0] =	ssyncadd.tile.s32 @!p0 $0x1;
	_ =	shalt  }
.Lfunc_end2:
_tile_overlayer_lowered:
.L_overlay_start_2:
0x1a4: {  	(tag) =	ssettag $0x2  }
0x1a5: {  	s0 =	rddreg [dreg:$0x0];
	s2 =	stileid.u32  }
0x1a6: {  	s1 =	rddreg [dreg:$0x1];
	p0 =	sne.s32 s2, $0x0  }
0x1a7: {  	s3 =	rddreg [dreg:$0x2];
	[bflag:$0x3] =	sbarrier.arrive $0xFFFF;
	s2 =	simm.s32 @!p0 $0x1C07  }
0x1a8: {  	[timem:s3], [sflag:s2] =	dma.local @!p0 [hbm:s0], s1  }
0x1a9: {  	s0 =	simm.s32 @!p0 $0x7  }
0x1aa: {  	_ =	swait.ge @!p0 [sflag:s0], s1  }
0x1ab: {  	s1 =	ssub.s32 @!p0 $0x0, s1;
	[sflag:s0] =	ssyncset.done @!p0 $0x0  }
0x1ac: {  	[sflag:s0] =	ssyncadd.s32 @!p0 s1  }
0x1ad: {  	[bflag:$0x3] =	sbarrier.arrive $0xFFFF  }
0x1ae: {  	_ =	shalt  }

</sc_bundles>
